<compile_context>
chip_gen: v7x
topology: tpu7x:2x2x1
jax: 0.10.2.dev20260603
libtpu: 0.0.44.dev20260713+nightly
codegen_flags: <defaults>
</compile_context>

<pallas_src>
import functools

import jax
import jax.numpy as jnp
from jax import lax
from jax.experimental import pallas as pl
from jax.experimental.pallas import tpu as pltpu
from jax.experimental.pallas import tpu_sc as plsc

N_GC = 10000
N_GN = 10000
E = 320000
H = 128

NC = 2
NS = 16
NW = NC * NS
L = 16


_NODE_BLK = 1000


def _node_proj_body(nf_gc, nf_gn, Wgc1, bgc1, Wgn1, bgn1, Wrgc1, brgc1,
                    Wrgc2, brgc2, Wrgn1, brgn1, Wrgn2, brgn2, Wgn2, bgn2,
                    h_gc_o, h_gn_o, out_gn_o):
    h_gc = jnp.dot(nf_gc[...], Wgc1[...], preferred_element_type=jnp.float32) + bgc1[...]
    h_gc = (jnp.dot(jnp.dot(h_gc, Wrgc1[...], preferred_element_type=jnp.float32) + brgc1[...],
                    Wrgc2[...], preferred_element_type=jnp.float32) + brgc2[...]) + h_gc
    h_gn = jnp.dot(nf_gn[...], Wgn1[...], preferred_element_type=jnp.float32) + bgn1[...]
    h_gn = (jnp.dot(jnp.dot(h_gn, Wrgn1[...], preferred_element_type=jnp.float32) + brgn1[...],
                    Wrgn2[...], preferred_element_type=jnp.float32) + brgn2[...]) + h_gn
    h_gc_o[...] = h_gc
    h_gn_o[...] = h_gn
    out_gn_o[...] = jnp.dot(h_gn, Wgn2[...], preferred_element_type=jnp.float32) + bgn2[...]


def _node_proj(nf_gc, nf_gn, Wgc1, bgc1, Wgn1, bgn1, Wrgc1, brgc1, Wrgc2,
               brgc2, Wrgn1, brgn1, Wrgn2, brgn2, Wgn2, bgn2):
    grid = (N_GC // _NODE_BLK,)
    row_spec = pl.BlockSpec((_NODE_BLK, H), lambda i: (i, 0))
    w_spec = pl.BlockSpec((H, H), lambda i: (0, 0))
    b_spec = pl.BlockSpec((1, H), lambda i: (0, 0))
    return pl.pallas_call(
        _node_proj_body,
        grid=grid,
        in_specs=[row_spec, row_spec] + [w_spec, b_spec] * 7,
        out_specs=[row_spec, row_spec, row_spec],
        out_shape=[jax.ShapeDtypeStruct((N_GC, H), jnp.float32)] * 3,
    )(nf_gc, nf_gn, Wgc1, bgc1, Wgn1, bgn1, Wrgc1, brgc1, Wrgc2, brgc2,
      Wrgn1, brgn1, Wrgn2, brgn2, Wgn2, bgn2)



_G_CHUNK = 400
_EPW = E // NW


def _gather_body(h_gn_hbm, h_gc_hbm, src_hbm, dst_hbm, g1_hbm, g2_hbm,
                 idx1_v, idx2_v, rows1_v, rows2_v, sem1, sem2):
    c = lax.axis_index("c")
    s = lax.axis_index("s")
    wid = s * NC + c
    base = wid * _EPW

    def step(i, carry):
        off = base + i * _G_CHUNK
        pltpu.sync_copy(src_hbm.at[pl.ds(off, _G_CHUNK)], idx1_v)
        pltpu.sync_copy(dst_hbm.at[pl.ds(off, _G_CHUNK)], idx2_v)
        cp1 = pltpu.async_copy(h_gn_hbm.at[idx1_v], rows1_v, sem1)
        cp2 = pltpu.async_copy(h_gc_hbm.at[idx2_v], rows2_v, sem2)
        cp1.wait()
        cp2.wait()
        pltpu.sync_copy(rows1_v, g1_hbm.at[pl.ds(off, _G_CHUNK)])
        pltpu.sync_copy(rows2_v, g2_hbm.at[pl.ds(off, _G_CHUNK)])
        return carry

    lax.fori_loop(0, _EPW // _G_CHUNK, step, 0)


def _edge_gather(h_gn, h_gc, src, dst):
    mesh = plsc.VectorSubcoreMesh(core_axis_name="c", subcore_axis_name="s")
    f = functools.partial(
        pl.kernel,
        out_type=[jax.ShapeDtypeStruct((E, H), jnp.float32)] * 2,
        mesh=mesh,
        scratch_types=[
            pltpu.VMEM((_G_CHUNK,), jnp.int32),
            pltpu.VMEM((_G_CHUNK,), jnp.int32),
            pltpu.VMEM((_G_CHUNK, H), jnp.float32),
            pltpu.VMEM((_G_CHUNK, H), jnp.float32),
            pltpu.SemaphoreType.DMA,
            pltpu.SemaphoreType.DMA,
        ],
    )(_gather_body)
    return f(h_gn, h_gc, src, dst)



_E_BLK = 2560


def _edge_mlp_body(g1, g2, W1a, W1b, b1, Wk, bk, Wf1, bf1, Wf2, bf2,
                   efo1_o, efo2_o):
    x = (jnp.dot(g1[...], W1a[...], preferred_element_type=jnp.float32)
         + jnp.dot(g2[...], W1b[...], preferred_element_type=jnp.float32)
         + b1[...])
    x = jnp.where(x >= 0.0, x, 0.2 * x)
    k = jax.nn.sigmoid(jnp.dot(x, Wk[...], preferred_element_type=jnp.float32) + bk[...])
    kcol = k[:, 0:1]
    f1 = jnp.dot(x, Wf1[...], preferred_element_type=jnp.float32) + bf1[...]
    f2 = jnp.dot(x, Wf2[...], preferred_element_type=jnp.float32) + bf2[...]
    efo1_o[...] = f1 * kcol
    efo2_o[...] = f2 * kcol


def _edge_mlp(g1, g2, W1a, W1b, b1, Wk, bk, Wf1, bf1, Wf2, bf2):
    grid = (E // _E_BLK,)
    e_spec = pl.BlockSpec((_E_BLK, H), lambda i: (i, 0))
    return pl.pallas_call(
        _edge_mlp_body,
        grid=grid,
        in_specs=[
            e_spec, e_spec,
            pl.BlockSpec((H, 2 * H), lambda i: (0, 0)),
            pl.BlockSpec((H, 2 * H), lambda i: (0, 0)),
            pl.BlockSpec((1, 2 * H), lambda i: (0, 0)),
            pl.BlockSpec((2 * H, 8), lambda i: (0, 0)),
            pl.BlockSpec((1, 8), lambda i: (0, 0)),
            pl.BlockSpec((2 * H, H), lambda i: (0, 0)),
            pl.BlockSpec((1, H), lambda i: (0, 0)),
            pl.BlockSpec((2 * H, H), lambda i: (0, 0)),
            pl.BlockSpec((1, H), lambda i: (0, 0)),
        ],
        out_specs=[e_spec, e_spec],
        out_shape=[jax.ShapeDtypeStruct((E, H), jnp.float32)] * 2,
    )(g1, g2, W1a, W1b, b1, Wk, bk, Wf1, bf1, Wf2, bf2)



_S_CHUNK = 200
_ACC_ROWS = 10240
_RPS = _ACC_ROWS // NS


def _seg_sum_body(dst_hbm, efo1_hbm, sum_hbm, acc_sh, dstv, rows1, zrow):
    c = lax.axis_index("c")
    s = lax.axis_index("s")
    wid = s * NC + c

    def zstep(i, carry):
        for j in range(H // L):
            zrow[i, pl.ds(j * L, L)] = jnp.zeros((L,), jnp.float32)
        return carry
    lax.fori_loop(0, 128, zstep, 0)
    for r in range(_RPS // 128):
        pltpu.sync_copy(zrow, acc_sh.at[pl.ds(s * _RPS + r * 128, 128)])
    plsc.subcore_barrier()

    base = wid * _EPW

    def sum_step(i, carry):
        off = base + i * _S_CHUNK
        pltpu.sync_copy(dst_hbm.at[pl.ds(off, _S_CHUNK)], dstv)
        pltpu.sync_copy(efo1_hbm.at[pl.ds(off, _S_CHUNK)], rows1)
        pltpu.sync_copy(rows1, acc_sh.at[dstv], add=True)
        return carry
    lax.fori_loop(0, _EPW // _S_CHUNK, sum_step, 0)

    plsc.subcore_barrier()
    pltpu.sync_copy(acc_sh.at[pl.ds(s * _RPS, _RPS)],
                    sum_hbm.at[c, pl.ds(s * _RPS, _RPS)])


def _seg_sum(dst, efo1):
    mesh = plsc.VectorSubcoreMesh(core_axis_name="c", subcore_axis_name="s")
    f = functools.partial(
        pl.kernel,
        out_type=jax.ShapeDtypeStruct((NC, _ACC_ROWS, H), jnp.float32),
        mesh=mesh,
        scratch_types=[
            pltpu.VMEM_SHARED((_ACC_ROWS, H), jnp.float32),
            pltpu.VMEM((_S_CHUNK,), jnp.int32),
            pltpu.VMEM((_S_CHUNK, H), jnp.float32),
            pltpu.VMEM((128, H), jnp.float32),
        ],
        compiler_params=pltpu.CompilerParams(needs_layout_passes=False),
    )(_seg_sum_body)
    return f(dst, efo1)



_M_STAGE = 10000
_M_GC = 128
_M_K = 3
_M_ROWS = 79
_NPT = 320
_NEG = -3.0e38


def _seg_max_body(dst_hbm, efo2_hbm, max_hbm,
                  stage, ids, dloc, rows2, accmax, sem2):
    c = lax.axis_index("c")
    s = lax.axis_index("s")
    wid = s * NC + c
    lo = jnp.minimum(wid * _NPT, N_GC - _NPT)
    hi = lo + _NPT

    def istep(i, carry):
        def ij(j, c2):
            accmax[i, pl.ds(j * L, L)] = jnp.full((L,), _NEG, jnp.float32)
            return c2
        lax.fori_loop(0, H // L, ij, 0)
        return carry
    lax.fori_loop(0, _NPT, istep, 0)

    def jstep(i, carry):
        def jj(j, c2):
            ids[i, pl.ds(j * L, L)] = jnp.zeros((L,), jnp.int32)
            return c2
        lax.fori_loop(0, _M_GC // L, jj, 0)
        return carry
    lax.fori_loop(0, _M_ROWS, jstep, 0)

    def outer(o, carry):
        ebase = o * _M_STAGE
        pltpu.sync_copy(dst_hbm.at[pl.ds(ebase, _M_STAGE)], stage)

        def filt(i, cnt):
            d = stage[pl.ds(i * L, L)]
            m = (d >= lo) & (d < hi)
            eid = ebase + i * L + lax.iota(jnp.int32, L)
            mi = m.astype(jnp.int32)
            lane = lax.iota(jnp.int32, L)
            dnums = lax.GatherDimensionNumbers(
                offset_dims=(), collapsed_slice_dims=(0,), start_index_map=(0,))
            v = mi
            for k in (1, 2, 4, 8):
                idx = jnp.maximum(lane - k, 0)
                g = lax.gather(v, idx[:, None], dnums, (1,),
                               mode=lax.GatherScatterMode.PROMISE_IN_BOUNDS)
                v = v + jnp.where(lane >= k, g, 0)
            pos = cnt + v - 1
            row = lax.shift_right_logical(pos, 7)
            col = pos & (_M_GC - 1)
            plsc.store_scatter(ids, [row, col], eid, mask=m)
            plsc.store_scatter(dloc, [pos], d - lo, mask=m)
            return cnt + plsc.all_reduce_population_count(m)[0]
        cnt = lax.fori_loop(0, _M_STAGE // L, filt, jnp.int32(0))

        def group(q, carry):
            gbase = q * (_M_K * _M_GC)
            for b in range(_M_K):
                @pl.when(gbase + b * _M_GC < cnt)
                def _fire(b=b):
                    pltpu.async_copy(
                        efo2_hbm.at[ids.at[q * _M_K + b]],
                        rows2.at[pl.ds(b * _M_GC, _M_GC)], sem2)
            for b in range(_M_K):
                @pl.when(gbase + b * _M_GC < cnt)
                def _drain(b=b):
                    pltpu.make_async_copy(
                        efo2_hbm.at[ids.at[q * _M_K + b]],
                        rows2.at[pl.ds(b * _M_GC, _M_GC)], sem2).wait()

            n_here = jnp.minimum(cnt - gbase, _M_K * _M_GC)

            def red(i, carry2):
                dl = dloc[pl.ds(gbase + i, L)][0]
                def rj(j, c2):
                    sl = pl.ds(j * L, L)
                    accmax[dl, sl] = jnp.maximum(accmax[dl, sl], rows2[i, sl])
                    return c2
                lax.fori_loop(0, H // L, rj, 0)
                return carry2
            lax.fori_loop(0, n_here, red, 0)
            return carry
        lax.fori_loop(0, (_M_ROWS + _M_K - 1) // _M_K, group, 0)
        return carry
    lax.fori_loop(0, E // _M_STAGE, outer, 0)

    pltpu.sync_copy(accmax, max_hbm.at[pl.ds(lo, _NPT)])


def _seg_max(dst, efo2):
    mesh = plsc.VectorSubcoreMesh(core_axis_name="c", subcore_axis_name="s")
    f = functools.partial(
        pl.kernel,
        out_type=jax.ShapeDtypeStruct((N_GC, H), jnp.float32),
        mesh=mesh,
        scratch_types=[
            pltpu.VMEM((_M_STAGE,), jnp.int32),
            pltpu.VMEM((_M_ROWS, _M_GC), jnp.int32),
            pltpu.VMEM((_M_STAGE + L,), jnp.int32),
            pltpu.VMEM((_M_K * _M_GC, H), jnp.float32),
            pltpu.VMEM((_NPT, H), jnp.float32),
            pltpu.SemaphoreType.DMA,
        ],
        compiler_params=pltpu.CompilerParams(needs_layout_passes=False),
    )(_seg_max_body)
    return f(dst, efo2)



def _final_body(h_gc, sum0, sum1, max_raw, Wra, Wrb, Wrc, bred, W2a, W2b,
                bgc2, out_o):
    nfo1 = sum0[0] + sum1[0]
    mr = max_raw[...]
    nfo2 = jnp.where(mr <= -1.0e38, 0.0, mr)
    hg = h_gc[...]
    new_x = (jnp.dot(hg, Wra[...], preferred_element_type=jnp.float32)
             + jnp.dot(nfo1, Wrb[...], preferred_element_type=jnp.float32)
             + jnp.dot(nfo2, Wrc[...], preferred_element_type=jnp.float32)
             + bred[...])
    out_o[...] = (jnp.dot(hg, W2a[...], preferred_element_type=jnp.float32)
                  + jnp.dot(new_x, W2b[...], preferred_element_type=jnp.float32)
                  + bgc2[...])


def _final(h_gc, sum_p, max_raw, Wra, Wrb, Wrc, bred, W2a, W2b, bgc2):
    grid = (N_GC // _NODE_BLK,)
    row_spec = pl.BlockSpec((_NODE_BLK, H), lambda i: (i, 0))
    sum_spec0 = pl.BlockSpec((1, _NODE_BLK, H), lambda i: (0, i, 0))
    sum_spec1 = pl.BlockSpec((1, _NODE_BLK, H), lambda i: (1, i, 0))
    w_spec = pl.BlockSpec((H, H), lambda i: (0, 0))
    b_spec = pl.BlockSpec((1, H), lambda i: (0, 0))
    return pl.pallas_call(
        _final_body,
        grid=grid,
        in_specs=[row_spec, sum_spec0, sum_spec1, row_spec,
                  w_spec, w_spec, w_spec, b_spec, w_spec, w_spec, b_spec],
        out_specs=pl.BlockSpec((_NODE_BLK, H), lambda i: (i, 0)),
        out_shape=jax.ShapeDtypeStruct((N_GC, H), jnp.float32),
    )(h_gc, sum_p, sum_p, max_raw, Wra, Wrb, Wrc, bred, W2a, W2b, bgc2)



def kernel(nf_gc, nf_gn, edge_index,
           W_gc1, b_gc1, W_gn1, b_gn1,
           W_rgc1, b_rgc1, W_rgc2, b_rgc2,
           W_rgn1, b_rgn1, W_rgn2, b_rgn2,
           W_msg1, b_msg1, W_msg2, b_msg2,
           W_red, b_red, W_gc2, b_gc2, W_gn2, b_gn2):
    src = edge_index[0].astype(jnp.int32)
    dst = edge_index[1].astype(jnp.int32)

    r2 = lambda b: b.reshape(1, -1)

    h_gc, h_gn, out_gn = _node_proj(
        nf_gc, nf_gn, W_gc1.T, r2(b_gc1), W_gn1.T, r2(b_gn1),
        W_rgc1.T, r2(b_rgc1), W_rgc2.T, r2(b_rgc2),
        W_rgn1.T, r2(b_rgn1), W_rgn2.T, r2(b_rgn2),
        W_gn2.T, r2(b_gn2))

    g1, g2 = _edge_gather(h_gn, h_gc, src, dst)

    W1t = W_msg1.T
    W2t = W_msg2.T
    Wk = jnp.pad(W2t[:, 0:1], ((0, 0), (0, 7)))
    bk = jnp.pad(b_msg2[0:1], (0, 7)).reshape(1, 8)
    efo1, efo2 = _edge_mlp(
        g1, g2, W1t[:H], W1t[H:], r2(b_msg1), Wk, bk,
        W2t[:, 1:1 + H], r2(b_msg2[1:1 + H]),
        W2t[:, 1 + H:], r2(b_msg2[1 + H:]))

    sum_p = _seg_sum(dst, efo1)
    max_raw = _seg_max(dst, efo2)

    Wrt = W_red.T
    W2ct = W_gc2.T
    out_gc = _final(h_gc, sum_p, max_raw,
                    Wrt[:H], Wrt[H:2 * H], Wrt[2 * H:], r2(b_red),
                    W2ct[:H], W2ct[H:], r2(b_gc2))
    return (out_gc, out_gn)

# --- scband reference (transcript-rebuilt; emitter-appended) ---
"""Pipeline reference for scband-feature-gen-4879082848672 (READ-ONLY COPY).

The authoritative reference and input builder live on the scoring server;
editing this copy changes nothing except your own understanding.
"""

import jax, jax.numpy as jnp
import numpy as np

N_GC = 10000
N_GN = 10000
E = 320000
N_HID = 128
N_GCELL = 128
N_SEGMENT = 128


def _lin(key, out_d, in_d):
    k1, k2 = jax.random.split(key)
    lim = 1.0 / np.sqrt(in_d)
    W = jax.random.uniform(k1, (out_d, in_d), minval=-lim, maxval=lim, dtype=jnp.float32)
    b = jax.random.uniform(k2, (out_d,), minval=-lim, maxval=lim, dtype=jnp.float32)
    return W, b


def setup_inputs(seed: int = 0) -> dict:
    key = jax.random.key(seed)
    ks = jax.random.split(key, 16)
    inp = {}
    inp['nf_gc'] = jax.random.normal(ks[0], (N_GC, N_GCELL), dtype=jnp.float32)
    inp['nf_gn'] = jax.random.normal(ks[1], (N_GN, N_SEGMENT), dtype=jnp.float32)
    inp['edge_index'] = jax.random.randint(ks[2], (2, E), 0, N_GC)
    inp['W_gc1'], inp['b_gc1'] = _lin(ks[3], N_HID, N_GCELL)
    inp['W_gn1'], inp['b_gn1'] = _lin(ks[4], N_HID, N_SEGMENT)
    inp['W_rgc1'], inp['b_rgc1'] = _lin(ks[5], N_HID, N_HID)
    inp['W_rgc2'], inp['b_rgc2'] = _lin(ks[6], N_HID, N_HID)
    inp['W_rgn1'], inp['b_rgn1'] = _lin(ks[7], N_HID, N_HID)
    inp['W_rgn2'], inp['b_rgn2'] = _lin(ks[8], N_HID, N_HID)
    inp['W_msg1'], inp['b_msg1'] = _lin(ks[9], 2 * N_HID, 2 * N_HID)
    inp['W_msg2'], inp['b_msg2'] = _lin(ks[10], 2 * N_HID + 1, 2 * N_HID)
    inp['W_red'], inp['b_red'] = _lin(ks[11], N_HID, 3 * N_HID)
    inp['W_gc2'], inp['b_gc2'] = _lin(ks[12], N_HID, 2 * N_HID)
    inp['W_gn2'], inp['b_gn2'] = _lin(ks[13], N_HID, N_HID)
    return inp


def reference(nf_gc, nf_gn, edge_index,
              W_gc1, b_gc1, W_gn1, b_gn1,
              W_rgc1, b_rgc1, W_rgc2, b_rgc2,
              W_rgn1, b_rgn1, W_rgn2, b_rgn2,
              W_msg1, b_msg1, W_msg2, b_msg2,
              W_red, b_red, W_gc2, b_gc2, W_gn2, b_gn2):
    # initial projections
    h_gc = nf_gc @ W_gc1.T + b_gc1
    h_gn = nf_gn @ W_gn1.T + b_gn1
    # residual blocks (no activation, matches Residual_Block)
    h_gc = (h_gc @ W_rgc1.T + b_rgc1) @ W_rgc2.T + b_rgc2 + h_gc
    h_gn = (h_gn @ W_rgn1.T + b_rgn1) @ W_rgn2.T + b_rgn2 + h_gn
    src = edge_index[0]  # gn node ids
    dst = edge_index[1]  # gc node ids
    # msg_n2c: concat(src gn feat, dst gc feat)
    x = jnp.concatenate([h_gn[src], h_gc[dst]], axis=1)  # [E, 2*n_hid]
    x = jax.nn.leaky_relu(x @ W_msg1.T + b_msg1, negative_slope=0.2)
    x = x @ W_msg2.T + b_msg2  # [E, 2*n_hid + 1]
    k = jax.nn.sigmoid(x[:, :1])
    f1 = x[:, 1:1 + N_HID]
    f2 = x[:, 1 + N_HID:1 + 2 * N_HID]
    efo1 = f1 * k
    efo2 = f2 * k
    # reductions onto gc nodes
    nfo1 = jax.ops.segment_sum(efo1, dst, num_segments=N_GC)
    nfo2 = jax.ops.segment_max(efo2, dst, num_segments=N_GC)
    nfo2 = jnp.where(jnp.isneginf(nfo2), 0.0, nfo2)  # DGL zero-fills nodes with no in-edges
    # reduce_n2c
    r = jnp.concatenate([h_gc, nfo1, nfo2], axis=1)
    new_x = r @ W_red.T + b_red  # single-layer MLP
    out_gc = jnp.concatenate([h_gc, new_x], axis=1) @ W_gc2.T + b_gc2
    out_gn = h_gn @ W_gn2.T + b_gn2
    return (out_gc, out_gn)

if __name__ == "__main__":
    import jax
    _d = setup_inputs()
    print(jax.jit(kernel)(*tuple(_d.values())))

</pallas_src>

<mosaic_0001>
#map = affine_map<(d0, d1) -> (0, 0)>
#map1 = affine_map<(d0, d1) -> (0)>
module attributes {stable_mosaic.version = 14 : i64} {
  func.func @_gather_body(%arg0: i32, %arg1: i32, %arg2: memref<10000x128xf32, #tpu.memory_space<hbm>>, %arg3: memref<10000x128xf32, #tpu.memory_space<hbm>>, %arg4: memref<320000xi32, #tpu.memory_space<hbm>>, %arg5: memref<320000xi32, #tpu.memory_space<hbm>>, %arg6: memref<320000x128xf32, #tpu.memory_space<hbm>>, %arg7: memref<320000x128xf32, #tpu.memory_space<hbm>>, %arg8: memref<400xi32, #tpu.memory_space<vmem>>, %arg9: memref<400xi32, #tpu.memory_space<vmem>>, %arg10: memref<400x128xf32, #tpu.memory_space<vmem>>, %arg11: memref<400x128xf32, #tpu.memory_space<vmem>>, %arg12: memref<!tpu.dma_semaphore, #tpu.memory_space<semaphore_mem>>, %arg13: memref<!tpu.dma_semaphore, #tpu.memory_space<semaphore_mem>>) attributes {dimension_semantics = [#tpu.dimension_semantics<core_parallel>, #tpu.dimension_semantics<subcore_parallel>], iteration_bounds = array<i64: 2, 16>, scalar_prefetch = 0 : i64, scratch_operands = 6 : i64, tpu.core_type = #tpu.core_type<sc_vector_subcore>, window_params = [{transform_indices = #map}, {transform_indices = #map}, {transform_indices = #map1}, {transform_indices = #map1}, {transform_indices = #map}, {transform_indices = #map}]} {
    %mul3A = arith.constant 2 : i32
    %mul3A_0 = arith.muli %arg1, %mul3A : i32
    %add3A = arith.addi %mul3A_0, %arg0 : i32
    %mul3A_1 = arith.constant 10000 : i32
    %mul3A_2 = arith.muli %add3A, %mul3A_1 : i32
    %scan3A = arith.constant 0 : i32
    %scan3A_3 = arith.constant 0 : i32
    %scan3A_4 = arith.constant 25 : i32
    %scan3A_5 = arith.addi %scan3A_3, %scan3A_4 : i32
    %scan3A_6 = arith.constant 1 : i32
    scf.for %scan3A_8 = %scan3A_3 to %scan3A_5 step %scan3A_6  : i32 {
      %mul3A_9 = arith.constant 400 : i32
      %mul3A_10 = arith.muli %scan3A_8, %mul3A_9 : i32
      %add3A_11 = arith.addi %mul3A_2, %mul3A_10 : i32
      "tpu.region"() ({
        %run_scoped3A = tpu.sem_alloc : memref<!tpu.dma_semaphore, #tpu.memory_space<semaphore_mem>>
        %dma_start3A_22 = tpu.memref_slice %arg4[%add3A_11] : memref<320000xi32, #tpu.memory_space<hbm>> -> memref<400xi32, #tpu.memory_space<hbm>>
        %dma_start3A_23 = tpu.memref_slice %arg4[%add3A_11] : memref<320000xi32, #tpu.memory_space<hbm>> -> memref<400xi32, #tpu.memory_space<hbm>>
        tpu.enqueue_dma source(%dma_start3A_23 : memref<400xi32, #tpu.memory_space<hbm>>) target(%arg8 : memref<400xi32, #tpu.memory_space<vmem>>) target_semaphore(%run_scoped3A : memref<!tpu.dma_semaphore, #tpu.memory_space<semaphore_mem>>)
        %dma_wait3A_24 = tpu.memref_slice %arg4[%add3A_11] : memref<320000xi32, #tpu.memory_space<hbm>> -> memref<400xi32, #tpu.memory_space<hbm>>
        %dma_wait3A_25 = tpu.memref_slice %arg4[%add3A_11] : memref<320000xi32, #tpu.memory_space<hbm>> -> memref<400xi32, #tpu.memory_space<hbm>>
        tpu.wait_dma2 semaphore(%run_scoped3A : memref<!tpu.dma_semaphore, #tpu.memory_space<semaphore_mem>>) src(%dma_wait3A_25 : memref<400xi32, #tpu.memory_space<hbm>>) dst(%arg8 : memref<400xi32, #tpu.memory_space<vmem>>)
        tpu.yield
      }) : () -> ()
      "tpu.region"() ({
        %run_scoped3A = tpu.sem_alloc : memref<!tpu.dma_semaphore, #tpu.memory_space<semaphore_mem>>
        %dma_start3A_22 = tpu.memref_slice %arg5[%add3A_11] : memref<320000xi32, #tpu.memory_space<hbm>> -> memref<400xi32, #tpu.memory_space<hbm>>
        %dma_start3A_23 = tpu.memref_slice %arg5[%add3A_11] : memref<320000xi32, #tpu.memory_space<hbm>> -> memref<400xi32, #tpu.memory_space<hbm>>
        tpu.enqueue_dma source(%dma_start3A_23 : memref<400xi32, #tpu.memory_space<hbm>>) target(%arg9 : memref<400xi32, #tpu.memory_space<vmem>>) target_semaphore(%run_scoped3A : memref<!tpu.dma_semaphore, #tpu.memory_space<semaphore_mem>>)
        %dma_wait3A_24 = tpu.memref_slice %arg5[%add3A_11] : memref<320000xi32, #tpu.memory_space<hbm>> -> memref<400xi32, #tpu.memory_space<hbm>>
        %dma_wait3A_25 = tpu.memref_slice %arg5[%add3A_11] : memref<320000xi32, #tpu.memory_space<hbm>> -> memref<400xi32, #tpu.memory_space<hbm>>
        tpu.wait_dma2 semaphore(%run_scoped3A : memref<!tpu.dma_semaphore, #tpu.memory_space<semaphore_mem>>) src(%dma_wait3A_25 : memref<400xi32, #tpu.memory_space<hbm>>) dst(%arg9 : memref<400xi32, #tpu.memory_space<vmem>>)
        tpu.yield
      }) : () -> ()
      %dma_start3A = arith.constant 0 : i32
      %dma_start3A_12 = arith.constant 0 : i32
      %dma_start3A_13 = tpu.memref_slice %arg2[%dma_start3A, %dma_start3A_12] : memref<10000x128xf32, #tpu.memory_space<hbm>> -> memref<10000x128xf32, #tpu.memory_space<hbm>>
      tpu.enqueue_indirect_dma source(%dma_start3A_13 : memref<10000x128xf32, #tpu.memory_space<hbm>>) target(%arg10 : memref<400x128xf32, #tpu.memory_space<vmem>>) offsets(%arg8 : memref<400xi32, #tpu.memory_space<vmem>>) semaphore(%arg12 : memref<!tpu.dma_semaphore, #tpu.memory_space<semaphore_mem>>)
      %dma_start3A_14 = arith.constant 0 : i32
      %dma_start3A_15 = arith.constant 0 : i32
      %dma_start3A_16 = tpu.memref_slice %arg3[%dma_start3A_14, %dma_start3A_15] : memref<10000x128xf32, #tpu.memory_space<hbm>> -> memref<10000x128xf32, #tpu.memory_space<hbm>>
      tpu.enqueue_indirect_dma source(%dma_start3A_16 : memref<10000x128xf32, #tpu.memory_space<hbm>>) target(%arg11 : memref<400x128xf32, #tpu.memory_space<vmem>>) offsets(%arg9 : memref<400xi32, #tpu.memory_space<vmem>>) semaphore(%arg13 : memref<!tpu.dma_semaphore, #tpu.memory_space<semaphore_mem>>)
      %dma_wait3A = arith.constant 0 : i32
      %dma_wait3A_17 = arith.constant 0 : i32
      %dma_wait3A_18 = tpu.memref_slice %arg2[%dma_wait3A, %dma_wait3A_17] : memref<10000x128xf32, #tpu.memory_space<hbm>> -> memref<10000x128xf32, #tpu.memory_space<hbm>>
      tpu.wait_indirect_dma semaphore(%arg12 : memref<!tpu.dma_semaphore, #tpu.memory_space<semaphore_mem>>) src(%dma_wait3A_18 : memref<10000x128xf32, #tpu.memory_space<hbm>>) dst(%arg10 : memref<400x128xf32, #tpu.memory_space<vmem>>)
      %dma_wait3A_19 = arith.constant 0 : i32
      %dma_wait3A_20 = arith.constant 0 : i32
      %dma_wait3A_21 = tpu.memref_slice %arg3[%dma_wait3A_19, %dma_wait3A_20] : memref<10000x128xf32, #tpu.memory_space<hbm>> -> memref<10000x128xf32, #tpu.memory_space<hbm>>
      tpu.wait_indirect_dma semaphore(%arg13 : memref<!tpu.dma_semaphore, #tpu.memory_space<semaphore_mem>>) src(%dma_wait3A_21 : memref<10000x128xf32, #tpu.memory_space<hbm>>) dst(%arg11 : memref<400x128xf32, #tpu.memory_space<vmem>>)
      "tpu.region"() ({
        %run_scoped3A = tpu.sem_alloc : memref<!tpu.dma_semaphore, #tpu.memory_space<semaphore_mem>>
        %dma_start3A_22 = arith.constant 0 : i32
        %dma_start3A_23 = tpu.memref_slice %arg6[%add3A_11, %dma_start3A_22] : memref<320000x128xf32, #tpu.memory_space<hbm>> -> memref<400x128xf32, #tpu.memory_space<hbm>>
        %dma_start3A_24 = arith.constant 0 : i32
        %dma_start3A_25 = tpu.memref_slice %arg6[%add3A_11, %dma_start3A_24] : memref<320000x128xf32, #tpu.memory_space<hbm>> -> memref<400x128xf32, #tpu.memory_space<hbm>>
        tpu.enqueue_dma source(%arg10 : memref<400x128xf32, #tpu.memory_space<vmem>>) target(%dma_start3A_25 : memref<400x128xf32, #tpu.memory_space<hbm>>) target_semaphore(%run_scoped3A : memref<!tpu.dma_semaphore, #tpu.memory_space<semaphore_mem>>)
        %dma_wait3A_26 = arith.constant 0 : i32
        %dma_wait3A_27 = tpu.memref_slice %arg6[%add3A_11, %dma_wait3A_26] : memref<320000x128xf32, #tpu.memory_space<hbm>> -> memref<400x128xf32, #tpu.memory_space<hbm>>
        %dma_wait3A_28 = arith.constant 0 : i32
        %dma_wait3A_29 = tpu.memref_slice %arg6[%add3A_11, %dma_wait3A_28] : memref<320000x128xf32, #tpu.memory_space<hbm>> -> memref<400x128xf32, #tpu.memory_space<hbm>>
        tpu.wait_dma2 semaphore(%run_scoped3A : memref<!tpu.dma_semaphore, #tpu.memory_space<semaphore_mem>>) src(%arg10 : memref<400x128xf32, #tpu.memory_space<vmem>>) dst(%dma_wait3A_29 : memref<400x128xf32, #tpu.memory_space<hbm>>)
        tpu.yield
      }) : () -> ()
      "tpu.region"() ({
        %run_scoped3A = tpu.sem_alloc : memref<!tpu.dma_semaphore, #tpu.memory_space<semaphore_mem>>
        %dma_start3A_22 = arith.constant 0 : i32
        %dma_start3A_23 = tpu.memref_slice %arg7[%add3A_11, %dma_start3A_22] : memref<320000x128xf32, #tpu.memory_space<hbm>> -> memref<400x128xf32, #tpu.memory_space<hbm>>
        %dma_start3A_24 = arith.constant 0 : i32
        %dma_start3A_25 = tpu.memref_slice %arg7[%add3A_11, %dma_start3A_24] : memref<320000x128xf32, #tpu.memory_space<hbm>> -> memref<400x128xf32, #tpu.memory_space<hbm>>
        tpu.enqueue_dma source(%arg11 : memref<400x128xf32, #tpu.memory_space<vmem>>) target(%dma_start3A_25 : memref<400x128xf32, #tpu.memory_space<hbm>>) target_semaphore(%run_scoped3A : memref<!tpu.dma_semaphore, #tpu.memory_space<semaphore_mem>>)
        %dma_wait3A_26 = arith.constant 0 : i32
        %dma_wait3A_27 = tpu.memref_slice %arg7[%add3A_11, %dma_wait3A_26] : memref<320000x128xf32, #tpu.memory_space<hbm>> -> memref<400x128xf32, #tpu.memory_space<hbm>>
        %dma_wait3A_28 = arith.constant 0 : i32
        %dma_wait3A_29 = tpu.memref_slice %arg7[%add3A_11, %dma_wait3A_28] : memref<320000x128xf32, #tpu.memory_space<hbm>> -> memref<400x128xf32, #tpu.memory_space<hbm>>
        tpu.wait_dma2 semaphore(%run_scoped3A : memref<!tpu.dma_semaphore, #tpu.memory_space<semaphore_mem>>) src(%arg11 : memref<400x128xf32, #tpu.memory_space<vmem>>) dst(%dma_wait3A_29 : memref<400x128xf32, #tpu.memory_space<hbm>>)
        tpu.yield
      }) : () -> ()
    }
    %scan3A_7 = arith.constant 25 : i32
    return
  }
}

#map = affine_map<(d0, d1) -> (0)>
#map1 = affine_map<(d0, d1) -> (0, 0)>
#map2 = affine_map<(d0, d1) -> (0, 0, 0)>
module attributes {stable_mosaic.version = 14 : i64} {
  func.func @_seg_sum_body(%arg0: i32, %arg1: i32, %arg2: memref<320000xi32, #tpu.memory_space<hbm>>, %arg3: memref<320000x128xf32, #tpu.memory_space<hbm>>, %arg4: memref<2x10240x128xf32, #tpu.memory_space<hbm>>, %arg5: memref<10240x128xf32, #tpu.memory_space<vmem_shared>>, %arg6: memref<200xi32, #tpu.memory_space<vmem>>, %arg7: memref<200x128xf32, #tpu.memory_space<vmem>>, %arg8: memref<128x128xf32, #tpu.memory_space<vmem>>) attributes {dimension_semantics = [#tpu.dimension_semantics<core_parallel>, #tpu.dimension_semantics<subcore_parallel>], iteration_bounds = array<i64: 2, 16>, scalar_prefetch = 0 : i64, scratch_operands = 4 : i64, tpu.core_type = #tpu.core_type<sc_vector_subcore>, window_params = [{transform_indices = #map}, {transform_indices = #map1}, {transform_indices = #map2}]} {
    %mul3A = arith.constant 2 : i32
    %mul3A_0 = arith.muli %arg1, %mul3A : i32
    %add3A = arith.addi %mul3A_0, %arg0 : i32
    %scan3A = arith.constant 0 : i32
    %scan3A_1 = arith.constant 0 : i32
    %scan3A_2 = arith.constant 128 : i32
    %scan3A_3 = arith.addi %scan3A_1, %scan3A_2 : i32
    %scan3A_4 = arith.constant 1 : i32
    scf.for %scan3A_39 = %scan3A_1 to %scan3A_3 step %scan3A_4  : i32 {
      %broadcast_in_dim3A = arith.constant 0.000000e+00 : f32
      %broadcast_in_dim3A_40 = vector.broadcast %broadcast_in_dim3A : f32 to vector<16xf32>
      %swap3A = arith.index_cast %scan3A_39 : i32 to index
      %swap3A_41 = arith.constant 0 : index
      %swap3A_42 = tpu.vector_load %arg8[%swap3A, %swap3A_41] {strides = array<i32>} : memref<128x128xf32, #tpu.memory_space<vmem>>, vector<16xf32>,
      tpu.vector_store %arg8[%swap3A, %swap3A_41], %broadcast_in_dim3A_40 {strides = array<i32>} : memref<128x128xf32, #tpu.memory_space<vmem>>, vector<16xf32>,
      %broadcast_in_dim3A_43 = arith.constant 0.000000e+00 : f32
      %broadcast_in_dim3A_44 = vector.broadcast %broadcast_in_dim3A_43 : f32 to vector<16xf32>
      %swap3A_45 = arith.index_cast %scan3A_39 : i32 to index
      %swap3A_46 = arith.constant 16 : index
      %swap3A_47 = tpu.vector_load %arg8[%swap3A_45, %swap3A_46] {strides = array<i32>} : memref<128x128xf32, #tpu.memory_space<vmem>>, vector<16xf32>,
      tpu.vector_store %arg8[%swap3A_45, %swap3A_46], %broadcast_in_dim3A_44 {strides = array<i32>} : memref<128x128xf32, #tpu.memory_space<vmem>>, vector<16xf32>,
      %broadcast_in_dim3A_48 = arith.constant 0.000000e+00 : f32
      %broadcast_in_dim3A_49 = vector.broadcast %broadcast_in_dim3A_48 : f32 to vector<16xf32>
      %swap3A_50 = arith.index_cast %scan3A_39 : i32 to index
      %swap3A_51 = arith.constant 32 : index
      %swap3A_52 = tpu.vector_load %arg8[%swap3A_50, %swap3A_51] {strides = array<i32>} : memref<128x128xf32, #tpu.memory_space<vmem>>, vector<16xf32>,
      tpu.vector_store %arg8[%swap3A_50, %swap3A_51], %broadcast_in_dim3A_49 {strides = array<i32>} : memref<128x128xf32, #tpu.memory_space<vmem>>, vector<16xf32>,
      %broadcast_in_dim3A_53 = arith.constant 0.000000e+00 : f32
      %broadcast_in_dim3A_54 = vector.broadcast %broadcast_in_dim3A_53 : f32 to vector<16xf32>
      %swap3A_55 = arith.index_cast %scan3A_39 : i32 to index
      %swap3A_56 = arith.constant 48 : index
      %swap3A_57 = tpu.vector_load %arg8[%swap3A_55, %swap3A_56] {strides = array<i32>} : memref<128x128xf32, #tpu.memory_space<vmem>>, vector<16xf32>,
      tpu.vector_store %arg8[%swap3A_55, %swap3A_56], %broadcast_in_dim3A_54 {strides = array<i32>} : memref<128x128xf32, #tpu.memory_space<vmem>>, vector<16xf32>,
      %broadcast_in_dim3A_58 = arith.constant 0.000000e+00 : f32
      %broadcast_in_dim3A_59 = vector.broadcast %broadcast_in_dim3A_58 : f32 to vector<16xf32>
      %swap3A_60 = arith.index_cast %scan3A_39 : i32 to index
      %swap3A_61 = arith.constant 64 : index
      %swap3A_62 = tpu.vector_load %arg8[%swap3A_60, %swap3A_61] {strides = array<i32>} : memref<128x128xf32, #tpu.memory_space<vmem>>, vector<16xf32>,
      tpu.vector_store %arg8[%swap3A_60, %swap3A_61], %broadcast_in_dim3A_59 {strides = array<i32>} : memref<128x128xf32, #tpu.memory_space<vmem>>, vector<16xf32>,
      %broadcast_in_dim3A_63 = arith.constant 0.000000e+00 : f32
      %broadcast_in_dim3A_64 = vector.broadcast %broadcast_in_dim3A_63 : f32 to vector<16xf32>
      %swap3A_65 = arith.index_cast %scan3A_39 : i32 to index
      %swap3A_66 = arith.constant 80 : index
      %swap3A_67 = tpu.vector_load %arg8[%swap3A_65, %swap3A_66] {strides = array<i32>} : memref<128x128xf32, #tpu.memory_space<vmem>>, vector<16xf32>,
      tpu.vector_store %arg8[%swap3A_65, %swap3A_66], %broadcast_in_dim3A_64 {strides = array<i32>} : memref<128x128xf32, #tpu.memory_space<vmem>>, vector<16xf32>,
      %broadcast_in_dim3A_68 = arith.constant 0.000000e+00 : f32
      %broadcast_in_dim3A_69 = vector.broadcast %broadcast_in_dim3A_68 : f32 to vector<16xf32>
      %swap3A_70 = arith.index_cast %scan3A_39 : i32 to index
      %swap3A_71 = arith.constant 96 : index
      %swap3A_72 = tpu.vector_load %arg8[%swap3A_70, %swap3A_71] {strides = array<i32>} : memref<128x128xf32, #tpu.memory_space<vmem>>, vector<16xf32>,
      tpu.vector_store %arg8[%swap3A_70, %swap3A_71], %broadcast_in_dim3A_69 {strides = array<i32>} : memref<128x128xf32, #tpu.memory_space<vmem>>, vector<16xf32>,
      %broadcast_in_dim3A_73 = arith.constant 0.000000e+00 : f32
      %broadcast_in_dim3A_74 = vector.broadcast %broadcast_in_dim3A_73 : f32 to vector<16xf32>
      %swap3A_75 = arith.index_cast %scan3A_39 : i32 to index
      %swap3A_76 = arith.constant 112 : index
      %swap3A_77 = tpu.vector_load %arg8[%swap3A_75, %swap3A_76] {strides = array<i32>} : memref<128x128xf32, #tpu.memory_space<vmem>>, vector<16xf32>,
      tpu.vector_store %arg8[%swap3A_75, %swap3A_76], %broadcast_in_dim3A_74 {strides = array<i32>} : memref<128x128xf32, #tpu.memory_space<vmem>>, vector<16xf32>,
    }
    %scan3A_5 = arith.constant 128 : i32
    %mul3A_6 = arith.constant 640 : i32
    %mul3A_7 = arith.muli %arg1, %mul3A_6 : i32
    %add3A_8 = arith.constant 0 : i32
    %add3A_9 = arith.addi %mul3A_7, %add3A_8 : i32
    "tpu.region"() ({
      %run_scoped3A = tpu.sem_alloc : memref<!tpu.dma_semaphore, #tpu.memory_space<semaphore_mem>>
      %dma_start3A = arith.constant 0 : i32
      %dma_start3A_39 = tpu.memref_slice %arg5[%add3A_9, %dma_start3A] : memref<10240x128xf32, #tpu.memory_space<vmem_shared>> -> memref<128x128xf32, #tpu.memory_space<vmem_shared>>
      %dma_start3A_40 = arith.constant 0 : i32
      %dma_start3A_41 = tpu.memref_slice %arg5[%add3A_9, %dma_start3A_40] : memref<10240x128xf32, #tpu.memory_space<vmem_shared>> -> memref<128x128xf32, #tpu.memory_space<vmem_shared>>
      tpu.enqueue_dma source(%arg8 : memref<128x128xf32, #tpu.memory_space<vmem>>) target(%dma_start3A_41 : memref<128x128xf32, #tpu.memory_space<vmem_shared>>) target_semaphore(%run_scoped3A : memref<!tpu.dma_semaphore, #tpu.memory_space<semaphore_mem>>)
      %dma_wait3A = arith.constant 0 : i32
      %dma_wait3A_42 = tpu.memref_slice %arg5[%add3A_9, %dma_wait3A] : memref<10240x128xf32, #tpu.memory_space<vmem_shared>> -> memref<128x128xf32, #tpu.memory_space<vmem_shared>>
      %dma_wait3A_43 = arith.constant 0 : i32
      %dma_wait3A_44 = tpu.memref_slice %arg5[%add3A_9, %dma_wait3A_43] : memref<10240x128xf32, #tpu.memory_space<vmem_shared>> -> memref<128x128xf32, #tpu.memory_space<vmem_shared>>
      tpu.wait_dma2 semaphore(%run_scoped3A : memref<!tpu.dma_semaphore, #tpu.memory_space<semaphore_mem>>) src(%arg8 : memref<128x128xf32, #tpu.memory_space<vmem>>) dst(%dma_wait3A_44 : memref<128x128xf32, #tpu.memory_space<vmem_shared>>)
      tpu.yield
    }) : () -> ()
    %mul3A_10 = arith.constant 640 : i32
    %mul3A_11 = arith.muli %arg1, %mul3A_10 : i32
    %add3A_12 = arith.constant 128 : i32
    %add3A_13 = arith.addi %mul3A_11, %add3A_12 : i32
    "tpu.region"() ({
      %run_scoped3A = tpu.sem_alloc : memref<!tpu.dma_semaphore, #tpu.memory_space<semaphore_mem>>
      %dma_start3A = arith.constant 0 : i32
      %dma_start3A_39 = tpu.memref_slice %arg5[%add3A_13, %dma_start3A] : memref<10240x128xf32, #tpu.memory_space<vmem_shared>> -> memref<128x128xf32, #tpu.memory_space<vmem_shared>>
      %dma_start3A_40 = arith.constant 0 : i32
      %dma_start3A_41 = tpu.memref_slice %arg5[%add3A_13, %dma_start3A_40] : memref<10240x128xf32, #tpu.memory_space<vmem_shared>> -> memref<128x128xf32, #tpu.memory_space<vmem_shared>>
      tpu.enqueue_dma source(%arg8 : memref<128x128xf32, #tpu.memory_space<vmem>>) target(%dma_start3A_41 : memref<128x128xf32, #tpu.memory_space<vmem_shared>>) target_semaphore(%run_scoped3A : memref<!tpu.dma_semaphore, #tpu.memory_space<semaphore_mem>>)
      %dma_wait3A = arith.constant 0 : i32
      %dma_wait3A_42 = tpu.memref_slice %arg5[%add3A_13, %dma_wait3A] : memref<10240x128xf32, #tpu.memory_space<vmem_shared>> -> memref<128x128xf32, #tpu.memory_space<vmem_shared>>
      %dma_wait3A_43 = arith.constant 0 : i32
      %dma_wait3A_44 = tpu.memref_slice %arg5[%add3A_13, %dma_wait3A_43] : memref<10240x128xf32, #tpu.memory_space<vmem_shared>> -> memref<128x128xf32, #tpu.memory_space<vmem_shared>>
      tpu.wait_dma2 semaphore(%run_scoped3A : memref<!tpu.dma_semaphore, #tpu.memory_space<semaphore_mem>>) src(%arg8 : memref<128x128xf32, #tpu.memory_space<vmem>>) dst(%dma_wait3A_44 : memref<128x128xf32, #tpu.memory_space<vmem_shared>>)
      tpu.yield
    }) : () -> ()
    %mul3A_14 = arith.constant 640 : i32
    %mul3A_15 = arith.muli %arg1, %mul3A_14 : i32
    %add3A_16 = arith.constant 256 : i32
    %add3A_17 = arith.addi %mul3A_15, %add3A_16 : i32
    "tpu.region"() ({
      %run_scoped3A = tpu.sem_alloc : memref<!tpu.dma_semaphore, #tpu.memory_space<semaphore_mem>>
      %dma_start3A = arith.constant 0 : i32
      %dma_start3A_39 = tpu.memref_slice %arg5[%add3A_17, %dma_start3A] : memref<10240x128xf32, #tpu.memory_space<vmem_shared>> -> memref<128x128xf32, #tpu.memory_space<vmem_shared>>
      %dma_start3A_40 = arith.constant 0 : i32
      %dma_start3A_41 = tpu.memref_slice %arg5[%add3A_17, %dma_start3A_40] : memref<10240x128xf32, #tpu.memory_space<vmem_shared>> -> memref<128x128xf32, #tpu.memory_space<vmem_shared>>
      tpu.enqueue_dma source(%arg8 : memref<128x128xf32, #tpu.memory_space<vmem>>) target(%dma_start3A_41 : memref<128x128xf32, #tpu.memory_space<vmem_shared>>) target_semaphore(%run_scoped3A : memref<!tpu.dma_semaphore, #tpu.memory_space<semaphore_mem>>)
      %dma_wait3A = arith.constant 0 : i32
      %dma_wait3A_42 = tpu.memref_slice %arg5[%add3A_17, %dma_wait3A] : memref<10240x128xf32, #tpu.memory_space<vmem_shared>> -> memref<128x128xf32, #tpu.memory_space<vmem_shared>>
      %dma_wait3A_43 = arith.constant 0 : i32
      %dma_wait3A_44 = tpu.memref_slice %arg5[%add3A_17, %dma_wait3A_43] : memref<10240x128xf32, #tpu.memory_space<vmem_shared>> -> memref<128x128xf32, #tpu.memory_space<vmem_shared>>
      tpu.wait_dma2 semaphore(%run_scoped3A : memref<!tpu.dma_semaphore, #tpu.memory_space<semaphore_mem>>) src(%arg8 : memref<128x128xf32, #tpu.memory_space<vmem>>) dst(%dma_wait3A_44 : memref<128x128xf32, #tpu.memory_space<vmem_shared>>)
      tpu.yield
    }) : () -> ()
    %mul3A_18 = arith.constant 640 : i32
    %mul3A_19 = arith.muli %arg1, %mul3A_18 : i32
    %add3A_20 = arith.constant 384 : i32
    %add3A_21 = arith.addi %mul3A_19, %add3A_20 : i32
    "tpu.region"() ({
      %run_scoped3A = tpu.sem_alloc : memref<!tpu.dma_semaphore, #tpu.memory_space<semaphore_mem>>
      %dma_start3A = arith.constant 0 : i32
      %dma_start3A_39 = tpu.memref_slice %arg5[%add3A_21, %dma_start3A] : memref<10240x128xf32, #tpu.memory_space<vmem_shared>> -> memref<128x128xf32, #tpu.memory_space<vmem_shared>>
      %dma_start3A_40 = arith.constant 0 : i32
      %dma_start3A_41 = tpu.memref_slice %arg5[%add3A_21, %dma_start3A_40] : memref<10240x128xf32, #tpu.memory_space<vmem_shared>> -> memref<128x128xf32, #tpu.memory_space<vmem_shared>>
      tpu.enqueue_dma source(%arg8 : memref<128x128xf32, #tpu.memory_space<vmem>>) target(%dma_start3A_41 : memref<128x128xf32, #tpu.memory_space<vmem_shared>>) target_semaphore(%run_scoped3A : memref<!tpu.dma_semaphore, #tpu.memory_space<semaphore_mem>>)
      %dma_wait3A = arith.constant 0 : i32
      %dma_wait3A_42 = tpu.memref_slice %arg5[%add3A_21, %dma_wait3A] : memref<10240x128xf32, #tpu.memory_space<vmem_shared>> -> memref<128x128xf32, #tpu.memory_space<vmem_shared>>
      %dma_wait3A_43 = arith.constant 0 : i32
      %dma_wait3A_44 = tpu.memref_slice %arg5[%add3A_21, %dma_wait3A_43] : memref<10240x128xf32, #tpu.memory_space<vmem_shared>> -> memref<128x128xf32, #tpu.memory_space<vmem_shared>>
      tpu.wait_dma2 semaphore(%run_scoped3A : memref<!tpu.dma_semaphore, #tpu.memory_space<semaphore_mem>>) src(%arg8 : memref<128x128xf32, #tpu.memory_space<vmem>>) dst(%dma_wait3A_44 : memref<128x128xf32, #tpu.memory_space<vmem_shared>>)
      tpu.yield
    }) : () -> ()
    %mul3A_22 = arith.constant 640 : i32
    %mul3A_23 = arith.muli %arg1, %mul3A_22 : i32
    %add3A_24 = arith.constant 512 : i32
    %add3A_25 = arith.addi %mul3A_23, %add3A_24 : i32
    "tpu.region"() ({
      %run_scoped3A = tpu.sem_alloc : memref<!tpu.dma_semaphore, #tpu.memory_space<semaphore_mem>>
      %dma_start3A = arith.constant 0 : i32
      %dma_start3A_39 = tpu.memref_slice %arg5[%add3A_25, %dma_start3A] : memref<10240x128xf32, #tpu.memory_space<vmem_shared>> -> memref<128x128xf32, #tpu.memory_space<vmem_shared>>
      %dma_start3A_40 = arith.constant 0 : i32
      %dma_start3A_41 = tpu.memref_slice %arg5[%add3A_25, %dma_start3A_40] : memref<10240x128xf32, #tpu.memory_space<vmem_shared>> -> memref<128x128xf32, #tpu.memory_space<vmem_shared>>
      tpu.enqueue_dma source(%arg8 : memref<128x128xf32, #tpu.memory_space<vmem>>) target(%dma_start3A_41 : memref<128x128xf32, #tpu.memory_space<vmem_shared>>) target_semaphore(%run_scoped3A : memref<!tpu.dma_semaphore, #tpu.memory_space<semaphore_mem>>)
      %dma_wait3A = arith.constant 0 : i32
      %dma_wait3A_42 = tpu.memref_slice %arg5[%add3A_25, %dma_wait3A] : memref<10240x128xf32, #tpu.memory_space<vmem_shared>> -> memref<128x128xf32, #tpu.memory_space<vmem_shared>>
      %dma_wait3A_43 = arith.constant 0 : i32
      %dma_wait3A_44 = tpu.memref_slice %arg5[%add3A_25, %dma_wait3A_43] : memref<10240x128xf32, #tpu.memory_space<vmem_shared>> -> memref<128x128xf32, #tpu.memory_space<vmem_shared>>
      tpu.wait_dma2 semaphore(%run_scoped3A : memref<!tpu.dma_semaphore, #tpu.memory_space<semaphore_mem>>) src(%arg8 : memref<128x128xf32, #tpu.memory_space<vmem>>) dst(%dma_wait3A_44 : memref<128x128xf32, #tpu.memory_space<vmem_shared>>)
      tpu.yield
    }) : () -> ()
    %barrier3A = arith.constant 0 : index
    tpu.barrier barrier_id(%barrier3A)
    %mul3A_26 = arith.constant 10000 : i32
    %mul3A_27 = arith.muli %add3A, %mul3A_26 : i32
    %scan3A_28 = arith.constant 0 : i32
    %scan3A_29 = arith.constant 0 : i32
    %scan3A_30 = arith.constant 50 : i32
    %scan3A_31 = arith.addi %scan3A_29, %scan3A_30 : i32
    %scan3A_32 = arith.constant 1 : i32
    scf.for %scan3A_39 = %scan3A_29 to %scan3A_31 step %scan3A_32  : i32 {
      %mul3A_40 = arith.constant 200 : i32
      %mul3A_41 = arith.muli %scan3A_39, %mul3A_40 : i32
      %add3A_42 = arith.addi %mul3A_27, %mul3A_41 : i32
      "tpu.region"() ({
        %run_scoped3A = tpu.sem_alloc : memref<!tpu.dma_semaphore, #tpu.memory_space<semaphore_mem>>
        %dma_start3A = tpu.memref_slice %arg2[%add3A_42] : memref<320000xi32, #tpu.memory_space<hbm>> -> memref<200xi32, #tpu.memory_space<hbm>>
        %dma_start3A_43 = tpu.memref_slice %arg2[%add3A_42] : memref<320000xi32, #tpu.memory_space<hbm>> -> memref<200xi32, #tpu.memory_space<hbm>>
        tpu.enqueue_dma source(%dma_start3A_43 : memref<200xi32, #tpu.memory_space<hbm>>) target(%arg6 : memref<200xi32, #tpu.memory_space<vmem>>) target_semaphore(%run_scoped3A : memref<!tpu.dma_semaphore, #tpu.memory_space<semaphore_mem>>)
        %dma_wait3A = tpu.memref_slice %arg2[%add3A_42] : memref<320000xi32, #tpu.memory_space<hbm>> -> memref<200xi32, #tpu.memory_space<hbm>>
        %dma_wait3A_44 = tpu.memref_slice %arg2[%add3A_42] : memref<320000xi32, #tpu.memory_space<hbm>> -> memref<200xi32, #tpu.memory_space<hbm>>
        tpu.wait_dma2 semaphore(%run_scoped3A : memref<!tpu.dma_semaphore, #tpu.memory_space<semaphore_mem>>) src(%dma_wait3A_44 : memref<200xi32, #tpu.memory_space<hbm>>) dst(%arg6 : memref<200xi32, #tpu.memory_space<vmem>>)
        tpu.yield
      }) : () -> ()
      "tpu.region"() ({
        %run_scoped3A = tpu.sem_alloc : memref<!tpu.dma_semaphore, #tpu.memory_space<semaphore_mem>>
        %dma_start3A = arith.constant 0 : i32
        %dma_start3A_43 = tpu.memref_slice %arg3[%add3A_42, %dma_start3A] : memref<320000x128xf32, #tpu.memory_space<hbm>> -> memref<200x128xf32, #tpu.memory_space<hbm>>
        %dma_start3A_44 = arith.constant 0 : i32
        %dma_start3A_45 = tpu.memref_slice %arg3[%add3A_42, %dma_start3A_44] : memref<320000x128xf32, #tpu.memory_space<hbm>> -> memref<200x128xf32, #tpu.memory_space<hbm>>
        tpu.enqueue_dma source(%dma_start3A_45 : memref<200x128xf32, #tpu.memory_space<hbm>>) target(%arg7 : memref<200x128xf32, #tpu.memory_space<vmem>>) target_semaphore(%run_scoped3A : memref<!tpu.dma_semaphore, #tpu.memory_space<semaphore_mem>>)
        %dma_wait3A = arith.constant 0 : i32
        %dma_wait3A_46 = tpu.memref_slice %arg3[%add3A_42, %dma_wait3A] : memref<320000x128xf32, #tpu.memory_space<hbm>> -> memref<200x128xf32, #tpu.memory_space<hbm>>
        %dma_wait3A_47 = arith.constant 0 : i32
        %dma_wait3A_48 = tpu.memref_slice %arg3[%add3A_42, %dma_wait3A_47] : memref<320000x128xf32, #tpu.memory_space<hbm>> -> memref<200x128xf32, #tpu.memory_space<hbm>>
        tpu.wait_dma2 semaphore(%run_scoped3A : memref<!tpu.dma_semaphore, #tpu.memory_space<semaphore_mem>>) src(%dma_wait3A_48 : memref<200x128xf32, #tpu.memory_space<hbm>>) dst(%arg7 : memref<200x128xf32, #tpu.memory_space<vmem>>)
        tpu.yield
      }) : () -> ()
      "tpu.region"() ({
        %run_scoped3A = tpu.sem_alloc : memref<!tpu.dma_semaphore, #tpu.memory_space<semaphore_mem>>
        %dma_start3A = arith.constant 0 : i32
        %dma_start3A_43 = arith.constant 0 : i32
        %dma_start3A_44 = tpu.memref_slice %arg5[%dma_start3A, %dma_start3A_43] : memref<10240x128xf32, #tpu.memory_space<vmem_shared>> -> memref<10240x128xf32, #tpu.memory_space<vmem_shared>>
        tpu.enqueue_indirect_dma source(%arg7 : memref<200x128xf32, #tpu.memory_space<vmem>>) target(%dma_start3A_44 : memref<10240x128xf32, #tpu.memory_space<vmem_shared>>) offsets(%arg6 : memref<200xi32, #tpu.memory_space<vmem>>) semaphore(%run_scoped3A : memref<!tpu.dma_semaphore, #tpu.memory_space<semaphore_mem>>) {add = true}
        %dma_wait3A = arith.constant 0 : i32
        %dma_wait3A_45 = arith.constant 0 : i32
        %dma_wait3A_46 = tpu.memref_slice %arg5[%dma_wait3A, %dma_wait3A_45] : memref<10240x128xf32, #tpu.memory_space<vmem_shared>> -> memref<10240x128xf32, #tpu.memory_space<vmem_shared>>
        tpu.wait_indirect_dma semaphore(%run_scoped3A : memref<!tpu.dma_semaphore, #tpu.memory_space<semaphore_mem>>) src(%arg7 : memref<200x128xf32, #tpu.memory_space<vmem>>) dst(%dma_wait3A_46 : memref<10240x128xf32, #tpu.memory_space<vmem_shared>>)
        tpu.yield
      }) : () -> ()
    }
    %scan3A_33 = arith.constant 50 : i32
    %barrier3A_34 = arith.constant 0 : index
    tpu.barrier barrier_id(%barrier3A_34)
    %mul3A_35 = arith.constant 640 : i32
    %mul3A_36 = arith.muli %arg1, %mul3A_35 : i32
    %mul3A_37 = arith.constant 640 : i32
    %mul3A_38 = arith.muli %arg1, %mul3A_37 : i32
    "tpu.region"() ({
      %run_scoped3A = tpu.sem_alloc : memref<!tpu.dma_semaphore, #tpu.memory_space<semaphore_mem>>
      %dma_start3A = arith.constant 0 : i32
      %dma_start3A_39 = tpu.memref_slice %arg4[%arg0, %mul3A_38, %dma_start3A] : memref<2x10240x128xf32, #tpu.memory_space<hbm>> -> memref<1x640x128xf32, #tpu.memory_space<hbm>>
      %dma_start3A_40 = tpu.memref_squeeze %dma_start3A_39 : memref<1x640x128xf32, #tpu.memory_space<hbm>> -> memref<640x128xf32, #tpu.memory_space<hbm>>
      %dma_start3A_41 = arith.constant 0 : i32
      %dma_start3A_42 = tpu.memref_slice %arg5[%mul3A_36, %dma_start3A_41] : memref<10240x128xf32, #tpu.memory_space<vmem_shared>> -> memref<640x128xf32, #tpu.memory_space<vmem_shared>>
      tpu.enqueue_dma source(%dma_start3A_42 : memref<640x128xf32, #tpu.memory_space<vmem_shared>>) target(%dma_start3A_40 : memref<640x128xf32, #tpu.memory_space<hbm>>) target_semaphore(%run_scoped3A : memref<!tpu.dma_semaphore, #tpu.memory_space<semaphore_mem>>)
      %dma_wait3A = arith.constant 0 : i32
      %dma_wait3A_43 = tpu.memref_slice %arg4[%arg0, %mul3A_38, %dma_wait3A] : memref<2x10240x128xf32, #tpu.memory_space<hbm>> -> memref<1x640x128xf32, #tpu.memory_space<hbm>>
      %dma_wait3A_44 = tpu.memref_squeeze %dma_wait3A_43 : memref<1x640x128xf32, #tpu.memory_space<hbm>> -> memref<640x128xf32, #tpu.memory_space<hbm>>
      %dma_wait3A_45 = arith.constant 0 : i32
      %dma_wait3A_46 = tpu.memref_slice %arg5[%mul3A_36, %dma_wait3A_45] : memref<10240x128xf32, #tpu.memory_space<vmem_shared>> -> memref<640x128xf32, #tpu.memory_space<vmem_shared>>
      tpu.wait_dma2 semaphore(%run_scoped3A : memref<!tpu.dma_semaphore, #tpu.memory_space<semaphore_mem>>) src(%dma_wait3A_46 : memref<640x128xf32, #tpu.memory_space<vmem_shared>>) dst(%dma_wait3A_44 : memref<640x128xf32, #tpu.memory_space<hbm>>)
      tpu.yield
    }) : () -> ()
    return
  }
}

#map = affine_map<(d0, d1) -> (0)>
#map1 = affine_map<(d0, d1) -> (0, 0)>
module attributes {stable_mosaic.version = 14 : i64} {
  func.func @_seg_max_body(%arg0: i32, %arg1: i32, %arg2: memref<320000xi32, #tpu.memory_space<hbm>>, %arg3: memref<320000x128xf32, #tpu.memory_space<hbm>>, %arg4: memref<10000x128xf32, #tpu.memory_space<hbm>>, %arg5: memref<10000xi32, #tpu.memory_space<vmem>>, %arg6: memref<79x128xi32, #tpu.memory_space<vmem>>, %arg7: memref<10016xi32, #tpu.memory_space<vmem>>, %arg8: memref<384x128xf32, #tpu.memory_space<vmem>>, %arg9: memref<320x128xf32, #tpu.memory_space<vmem>>, %arg10: memref<!tpu.dma_semaphore, #tpu.memory_space<semaphore_mem>>) attributes {dimension_semantics = [#tpu.dimension_semantics<core_parallel>, #tpu.dimension_semantics<subcore_parallel>], iteration_bounds = array<i64: 2, 16>, scalar_prefetch = 0 : i64, scratch_operands = 6 : i64, tpu.core_type = #tpu.core_type<sc_vector_subcore>, window_params = [{transform_indices = #map}, {transform_indices = #map1}, {transform_indices = #map1}]} {
    %mul3A = arith.constant 2 : i32
    %mul3A_0 = arith.muli %arg1, %mul3A : i32
    %add3A = arith.addi %mul3A_0, %arg0 : i32
    %mul3A_1 = arith.constant 320 : i32
    %mul3A_2 = arith.muli %add3A, %mul3A_1 : i32
    %min3A = arith.constant 9680 : i32
    %min3A_3 = arith.minsi %mul3A_2, %min3A : i32
    %add3A_4 = arith.constant 320 : i32
    %add3A_5 = arith.addi %min3A_3, %add3A_4 : i32
    %scan3A = arith.constant 0 : i32
    %scan3A_6 = arith.constant 0 : i32
    %scan3A_7 = arith.constant 320 : i32
    %scan3A_8 = arith.addi %scan3A_6, %scan3A_7 : i32
    %scan3A_9 = arith.constant 1 : i32
    scf.for %scan3A_23 = %scan3A_6 to %scan3A_8 step %scan3A_9  : i32 {
      %scan3A_24 = arith.constant 0 : i32
      %scan3A_25 = arith.constant 0 : i32
      %scan3A_26 = arith.constant 8 : i32
      %scan3A_27 = arith.addi %scan3A_25, %scan3A_26 : i32
      %scan3A_28 = arith.constant 1 : i32
      scf.for %scan3A_30 = %scan3A_25 to %scan3A_27 step %scan3A_28  : i32 {
        %broadcast_in_dim3A = arith.constant -3.000000e+38 : f32
        %broadcast_in_dim3A_31 = vector.broadcast %broadcast_in_dim3A : f32 to vector<16xf32>
        %mul3A_32 = arith.constant 16 : i32
        %mul3A_33 = arith.muli %scan3A_30, %mul3A_32 : i32
        %swap3A = arith.index_cast %scan3A_23 : i32 to index
        %swap3A_34 = arith.index_cast %mul3A_33 : i32 to index
        %swap3A_35 = tpu.vector_load %arg9[%swap3A, %swap3A_34] {strides = array<i32>} : memref<320x128xf32, #tpu.memory_space<vmem>>, vector<16xf32>,
        tpu.vector_store %arg9[%swap3A, %swap3A_34], %broadcast_in_dim3A_31 {strides = array<i32>} : memref<320x128xf32, #tpu.memory_space<vmem>>, vector<16xf32>,
      }
      %scan3A_29 = arith.constant 8 : i32
    }
    %scan3A_10 = arith.constant 320 : i32
    %scan3A_11 = arith.constant 0 : i32
    %scan3A_12 = arith.constant 0 : i32
    %scan3A_13 = arith.constant 79 : i32
    %scan3A_14 = arith.addi %scan3A_12, %scan3A_13 : i32
    %scan3A_15 = arith.constant 1 : i32
    scf.for %scan3A_23 = %scan3A_12 to %scan3A_14 step %scan3A_15  : i32 {
      %scan3A_24 = arith.constant 0 : i32
      %scan3A_25 = arith.constant 0 : i32
      %scan3A_26 = arith.constant 8 : i32
      %scan3A_27 = arith.addi %scan3A_25, %scan3A_26 : i32
      %scan3A_28 = arith.constant 1 : i32
      scf.for %scan3A_30 = %scan3A_25 to %scan3A_27 step %scan3A_28  : i32 {
        %broadcast_in_dim3A = arith.constant 0 : i32
        %broadcast_in_dim3A_31 = vector.broadcast %broadcast_in_dim3A : i32 to vector<16xi32>
        %mul3A_32 = arith.constant 16 : i32
        %mul3A_33 = arith.muli %scan3A_30, %mul3A_32 : i32
        %swap3A = arith.index_cast %scan3A_23 : i32 to index
        %swap3A_34 = arith.index_cast %mul3A_33 : i32 to index
        %swap3A_35 = tpu.vector_load %arg6[%swap3A, %swap3A_34] {strides = array<i32>} : memref<79x128xi32, #tpu.memory_space<vmem>>, vector<16xi32>,
        tpu.vector_store %arg6[%swap3A, %swap3A_34], %broadcast_in_dim3A_31 {strides = array<i32>} : memref<79x128xi32, #tpu.memory_space<vmem>>, vector<16xi32>,
      }
      %scan3A_29 = arith.constant 8 : i32
    }
    %scan3A_16 = arith.constant 79 : i32
    %scan3A_17 = arith.constant 0 : i32
    %scan3A_18 = arith.constant 0 : i32
    %scan3A_19 = arith.constant 32 : i32
    %scan3A_20 = arith.addi %scan3A_18, %scan3A_19 : i32
    %scan3A_21 = arith.constant 1 : i32
    scf.for %scan3A_23 = %scan3A_18 to %scan3A_20 step %scan3A_21  : i32 {
      %mul3A_24 = arith.constant 10000 : i32
      %mul3A_25 = arith.muli %scan3A_23, %mul3A_24 : i32
      "tpu.region"() ({
        %run_scoped3A = tpu.sem_alloc : memref<!tpu.dma_semaphore, #tpu.memory_space<semaphore_mem>>
        %dma_start3A = tpu.memref_slice %arg2[%mul3A_25] : memref<320000xi32, #tpu.memory_space<hbm>> -> memref<10000xi32, #tpu.memory_space<hbm>>
        %dma_start3A_39 = tpu.memref_slice %arg2[%mul3A_25] : memref<320000xi32, #tpu.memory_space<hbm>> -> memref<10000xi32, #tpu.memory_space<hbm>>
        tpu.enqueue_dma source(%dma_start3A_39 : memref<10000xi32, #tpu.memory_space<hbm>>) target(%arg5 : memref<10000xi32, #tpu.memory_space<vmem>>) target_semaphore(%run_scoped3A : memref<!tpu.dma_semaphore, #tpu.memory_space<semaphore_mem>>)
        %dma_wait3A = tpu.memref_slice %arg2[%mul3A_25] : memref<320000xi32, #tpu.memory_space<hbm>> -> memref<10000xi32, #tpu.memory_space<hbm>>
        %dma_wait3A_40 = tpu.memref_slice %arg2[%mul3A_25] : memref<320000xi32, #tpu.memory_space<hbm>> -> memref<10000xi32, #tpu.memory_space<hbm>>
        tpu.wait_dma2 semaphore(%run_scoped3A : memref<!tpu.dma_semaphore, #tpu.memory_space<semaphore_mem>>) src(%dma_wait3A_40 : memref<10000xi32, #tpu.memory_space<hbm>>) dst(%arg5 : memref<10000xi32, #tpu.memory_space<vmem>>)
        tpu.yield
      }) : () -> ()
      %scan3A_26 = arith.constant 0 : i32
      %scan3A_27 = arith.constant 0 : i32
      %scan3A_28 = arith.constant 625 : i32
      %scan3A_29 = arith.addi %scan3A_27, %scan3A_28 : i32
      %scan3A_30 = arith.constant 1 : i32
      %scan3A_31 = scf.for %scan3A_39 = %scan3A_27 to %scan3A_29 step %scan3A_30 iter_args(%scan3A_40 = %scan3A_26) -> (i32)  : i32 {
        %mul3A_41 = arith.constant 16 : i32
        %mul3A_42 = arith.muli %scan3A_39, %mul3A_41 : i32
        %get3A = arith.index_cast %mul3A_42 : i32 to index
        %get3A_43 = tpu.vector_load %arg5[%get3A] {strides = array<i32>} : memref<10000xi32, #tpu.memory_space<vmem>>, vector<16xi32>,
        %ge3A = vector.broadcast %min3A_3 : i32 to vector<16xi32>
        %ge3A_44 = arith.cmpi sge, %get3A_43, %ge3A : vector<16xi32>
        %lt3A = vector.broadcast %add3A_5 : i32 to vector<16xi32>
        %lt3A_45 = arith.cmpi slt, %get3A_43, %lt3A : vector<16xi32>
        %and3A = arith.andi %ge3A_44, %lt3A_45 : vector<16xi1>
        %mul3A_46 = arith.constant 16 : i32
        %mul3A_47 = arith.muli %scan3A_39, %mul3A_46 : i32
        %add3A_48 = arith.addi %mul3A_25, %mul3A_47 : i32
        %iota3A = tpu.iota {dimensions = array<i32: 0>} : vector<16xi32>
        %add3A_49 = vector.broadcast %add3A_48 : i32 to vector<16xi32>
        %add3A_50 = arith.addi %add3A_49, %iota3A : vector<16xi32>
        %convert_element_type3A = arith.extui %and3A : vector<16xi1> to vector<16xi32>
        %iota3A_51 = tpu.iota {dimensions = array<i32: 0>} : vector<16xi32>
        %sub3A = arith.constant 1 : i32
        %sub3A_52 = vector.broadcast %sub3A : i32 to vector<16xi32>
        %sub3A_53 = arith.subi %iota3A_51, %sub3A_52 : vector<16xi32>
        %max3A = arith.constant 0 : i32
        %max3A_54 = vector.broadcast %max3A : i32 to vector<16xi32>
        %max3A_55 = arith.maxsi %sub3A_53, %max3A_54 : vector<16xi32>
        %broadcast_in_dim3A = vector.shape_cast %max3A_55 : vector<16xi32> to vector<16x1xi32>
        %gather3A = vector.shape_cast %broadcast_in_dim3A : vector<16x1xi32> to vector<16xi32>
        %gather3A_56 = tpu.dynamic_gather %convert_element_type3A[%gather3A] in [0] : vector<16xi32>, vector<16xi32> -> vector<16xi32>
        %ge3A_57 = arith.constant 1 : i32
        %ge3A_58 = vector.broadcast %ge3A_57 : i32 to vector<16xi32>
        %ge3A_59 = arith.cmpi sge, %iota3A_51, %ge3A_58 : vector<16xi32>
        %jit3A = arith.constant 0 : i32
        %broadcast_in_dim3A_60 = vector.broadcast %jit3A : i32 to vector<16xi32>
        %select_n3A = arith.select %ge3A_59, %gather3A_56, %broadcast_in_dim3A_60 : vector<16xi1>, vector<16xi32>
        %add3A_61 = arith.addi %convert_element_type3A, %select_n3A : vector<16xi32>
        %sub3A_62 = arith.constant 2 : i32
        %sub3A_63 = vector.broadcast %sub3A_62 : i32 to vector<16xi32>
        %sub3A_64 = arith.subi %iota3A_51, %sub3A_63 : vector<16xi32>
        %max3A_65 = arith.constant 0 : i32
        %max3A_66 = vector.broadcast %max3A_65 : i32 to vector<16xi32>
        %max3A_67 = arith.maxsi %sub3A_64, %max3A_66 : vector<16xi32>
        %broadcast_in_dim3A_68 = vector.shape_cast %max3A_67 : vector<16xi32> to vector<16x1xi32>
        %gather3A_69 = vector.shape_cast %broadcast_in_dim3A_68 : vector<16x1xi32> to vector<16xi32>
        %gather3A_70 = tpu.dynamic_gather %add3A_61[%gather3A_69] in [0] : vector<16xi32>, vector<16xi32> -> vector<16xi32>
        %ge3A_71 = arith.constant 2 : i32
        %ge3A_72 = vector.broadcast %ge3A_71 : i32 to vector<16xi32>
        %ge3A_73 = arith.cmpi sge, %iota3A_51, %ge3A_72 : vector<16xi32>
        %jit3A_74 = arith.constant 0 : i32
        %broadcast_in_dim3A_75 = vector.broadcast %jit3A_74 : i32 to vector<16xi32>
        %select_n3A_76 = arith.select %ge3A_73, %gather3A_70, %broadcast_in_dim3A_75 : vector<16xi1>, vector<16xi32>
        %add3A_77 = arith.addi %add3A_61, %select_n3A_76 : vector<16xi32>
        %sub3A_78 = arith.constant 4 : i32
        %sub3A_79 = vector.broadcast %sub3A_78 : i32 to vector<16xi32>
        %sub3A_80 = arith.subi %iota3A_51, %sub3A_79 : vector<16xi32>
        %max3A_81 = arith.constant 0 : i32
        %max3A_82 = vector.broadcast %max3A_81 : i32 to vector<16xi32>
        %max3A_83 = arith.maxsi %sub3A_80, %max3A_82 : vector<16xi32>
        %broadcast_in_dim3A_84 = vector.shape_cast %max3A_83 : vector<16xi32> to vector<16x1xi32>
        %gather3A_85 = vector.shape_cast %broadcast_in_dim3A_84 : vector<16x1xi32> to vector<16xi32>
        %gather3A_86 = tpu.dynamic_gather %add3A_77[%gather3A_85] in [0] : vector<16xi32>, vector<16xi32> -> vector<16xi32>
        %ge3A_87 = arith.constant 4 : i32
        %ge3A_88 = vector.broadcast %ge3A_87 : i32 to vector<16xi32>
        %ge3A_89 = arith.cmpi sge, %iota3A_51, %ge3A_88 : vector<16xi32>
        %jit3A_90 = arith.constant 0 : i32
        %broadcast_in_dim3A_91 = vector.broadcast %jit3A_90 : i32 to vector<16xi32>
        %select_n3A_92 = arith.select %ge3A_89, %gather3A_86, %broadcast_in_dim3A_91 : vector<16xi1>, vector<16xi32>
        %add3A_93 = arith.addi %add3A_77, %select_n3A_92 : vector<16xi32>
        %sub3A_94 = arith.constant 8 : i32
        %sub3A_95 = vector.broadcast %sub3A_94 : i32 to vector<16xi32>
        %sub3A_96 = arith.subi %iota3A_51, %sub3A_95 : vector<16xi32>
        %max3A_97 = arith.constant 0 : i32
        %max3A_98 = vector.broadcast %max3A_97 : i32 to vector<16xi32>
        %max3A_99 = arith.maxsi %sub3A_96, %max3A_98 : vector<16xi32>
        %broadcast_in_dim3A_100 = vector.shape_cast %max3A_99 : vector<16xi32> to vector<16x1xi32>
        %gather3A_101 = vector.shape_cast %broadcast_in_dim3A_100 : vector<16x1xi32> to vector<16xi32>
        %gather3A_102 = tpu.dynamic_gather %add3A_93[%gather3A_101] in [0] : vector<16xi32>, vector<16xi32> -> vector<16xi32>
        %ge3A_103 = arith.constant 8 : i32
        %ge3A_104 = vector.broadcast %ge3A_103 : i32 to vector<16xi32>
        %ge3A_105 = arith.cmpi sge, %iota3A_51, %ge3A_104 : vector<16xi32>
        %jit3A_106 = arith.constant 0 : i32
        %broadcast_in_dim3A_107 = vector.broadcast %jit3A_106 : i32 to vector<16xi32>
        %select_n3A_108 = arith.select %ge3A_105, %gather3A_102, %broadcast_in_dim3A_107 : vector<16xi1>, vector<16xi32>
        %add3A_109 = arith.addi %add3A_93, %select_n3A_108 : vector<16xi32>
        %add3A_110 = vector.broadcast %scan3A_40 : i32 to vector<16xi32>
        %add3A_111 = arith.addi %add3A_110, %add3A_109 : vector<16xi32>
        %sub3A_112 = arith.constant 1 : i32
        %sub3A_113 = vector.broadcast %sub3A_112 : i32 to vector<16xi32>
        %sub3A_114 = arith.subi %add3A_111, %sub3A_113 : vector<16xi32>
        %shift_right_logical3A = arith.constant 7 : i32
        %shift_right_logical3A_115 = vector.broadcast %shift_right_logical3A : i32 to vector<16xi32>
        %shift_right_logical3A_116 = arith.shrui %sub3A_114, %shift_right_logical3A_115 : vector<16xi32>
        %and3A_117 = arith.constant 127 : i32
        %and3A_118 = vector.broadcast %and3A_117 : i32 to vector<16xi32>
        %and3A_119 = arith.andi %sub3A_114, %and3A_118 : vector<16xi32>
        tpu.vector_store_idx %arg6[%shift_right_logical3A_116, %and3A_119], %add3A_50 masked %and3A : memref<79x128xi32, #tpu.memory_space<vmem>>[vector<16xi32>, vector<16xi32>], vector<16xi32>, vector<16xi1>
        %sub3A_120 = vector.broadcast %min3A_3 : i32 to vector<16xi32>
        %sub3A_121 = arith.subi %get3A_43, %sub3A_120 : vector<16xi32>
        tpu.vector_store_idx %arg7[%sub3A_114], %sub3A_121 masked %and3A : memref<10016xi32, #tpu.memory_space<vmem>>[vector<16xi32>], vector<16xi32>, vector<16xi1>
        %all_reduce_population_count3A = tpu.all_reduce %and3A {dim = 0 : i64, kind = #tpu.reduction_kind<sum>} : vector<16xi1> -> vector<16xi32>
        %slice3A = vector.extract_strided_slice %all_reduce_population_count3A {offsets = [0], sizes = [1], strides = [1]} : vector<16xi32> to vector<1xi32>
        %squeeze3A = vector.extract %slice3A[0] : i32 from vector<1xi32>
        %add3A_122 = arith.addi %scan3A_40, %squeeze3A : i32
        scf.yield %add3A_122 : i32
      }
      %scan3A_32 = arith.constant 625 : i32
      %scan3A_33 = arith.constant 0 : i32
      %scan3A_34 = arith.constant 0 : i32
      %scan3A_35 = arith.constant 27 : i32
      %scan3A_36 = arith.addi %scan3A_34, %scan3A_35 : i32
      %scan3A_37 = arith.constant 1 : i32
      scf.for %scan3A_39 = %scan3A_34 to %scan3A_36 step %scan3A_37  : i32 {
        %mul3A_40 = arith.constant 384 : i32
        %mul3A_41 = arith.muli %scan3A_39, %mul3A_40 : i32
        %add3A_42 = arith.constant 0 : i32
        %add3A_43 = arith.addi %mul3A_41, %add3A_42 : i32
        %lt3A = arith.cmpi slt, %add3A_43, %scan3A_31 : i32
        %convert_element_type3A = arith.extui %lt3A : i1 to i32
        %cond3A = arith.constant 0 : i32
        %cond3A_44 = arith.cmpi ne, %convert_element_type3A, %cond3A : i32
        scf.if %cond3A_44 {
          %mul3A_86 = arith.constant 3 : i32
          %mul3A_87 = arith.muli %scan3A_39, %mul3A_86 : i32
          %add3A_88 = arith.constant 0 : i32
          %add3A_89 = arith.addi %mul3A_87, %add3A_88 : i32
          %dma_start3A = arith.constant 0 : i32
          %dma_start3A_90 = arith.constant 0 : i32
          %dma_start3A_91 = tpu.memref_slice %arg8[%dma_start3A, %dma_start3A_90] : memref<384x128xf32, #tpu.memory_space<vmem>> -> memref<128x128xf32, #tpu.memory_space<vmem>>
          %dma_start3A_92 = arith.constant 0 : i32
          %dma_start3A_93 = tpu.memref_slice %arg6[%add3A_89, %dma_start3A_92] : memref<79x128xi32, #tpu.memory_space<vmem>> -> memref<1x128xi32, #tpu.memory_space<vmem>>
          %dma_start3A_94 = tpu.memref_squeeze %dma_start3A_93 : memref<1x128xi32, #tpu.memory_space<vmem>> -> memref<128xi32, #tpu.memory_space<vmem>>
          %dma_start3A_95 = arith.constant 0 : i32
          %dma_start3A_96 = arith.constant 0 : i32
          %dma_start3A_97 = tpu.memref_slice %arg3[%dma_start3A_95, %dma_start3A_96] : memref<320000x128xf32, #tpu.memory_space<hbm>> -> memref<320000x128xf32, #tpu.memory_space<hbm>>
          tpu.enqueue_indirect_dma source(%dma_start3A_97 : memref<320000x128xf32, #tpu.memory_space<hbm>>) target(%dma_start3A_91 : memref<128x128xf32, #tpu.memory_space<vmem>>) offsets(%dma_start3A_94 : memref<128xi32, #tpu.memory_space<vmem>>) semaphore(%arg10 : memref<!tpu.dma_semaphore, #tpu.memory_space<semaphore_mem>>)
        } else {
        }
        %add3A_45 = arith.constant 128 : i32
        %add3A_46 = arith.addi %mul3A_41, %add3A_45 : i32
        %lt3A_47 = arith.cmpi slt, %add3A_46, %scan3A_31 : i32
        %convert_element_type3A_48 = arith.extui %lt3A_47 : i1 to i32
        %cond3A_49 = arith.constant 0 : i32
        %cond3A_50 = arith.cmpi ne, %convert_element_type3A_48, %cond3A_49 : i32
        scf.if %cond3A_50 {
          %mul3A_86 = arith.constant 3 : i32
          %mul3A_87 = arith.muli %scan3A_39, %mul3A_86 : i32
          %add3A_88 = arith.constant 1 : i32
          %add3A_89 = arith.addi %mul3A_87, %add3A_88 : i32
          %dma_start3A = arith.constant 128 : i32
          %dma_start3A_90 = arith.constant 0 : i32
          %dma_start3A_91 = tpu.memref_slice %arg8[%dma_start3A, %dma_start3A_90] : memref<384x128xf32, #tpu.memory_space<vmem>> -> memref<128x128xf32, #tpu.memory_space<vmem>>
          %dma_start3A_92 = arith.constant 0 : i32
          %dma_start3A_93 = tpu.memref_slice %arg6[%add3A_89, %dma_start3A_92] : memref<79x128xi32, #tpu.memory_space<vmem>> -> memref<1x128xi32, #tpu.memory_space<vmem>>
          %dma_start3A_94 = tpu.memref_squeeze %dma_start3A_93 : memref<1x128xi32, #tpu.memory_space<vmem>> -> memref<128xi32, #tpu.memory_space<vmem>>
          %dma_start3A_95 = arith.constant 0 : i32
          %dma_start3A_96 = arith.constant 0 : i32
          %dma_start3A_97 = tpu.memref_slice %arg3[%dma_start3A_95, %dma_start3A_96] : memref<320000x128xf32, #tpu.memory_space<hbm>> -> memref<320000x128xf32, #tpu.memory_space<hbm>>
          tpu.enqueue_indirect_dma source(%dma_start3A_97 : memref<320000x128xf32, #tpu.memory_space<hbm>>) target(%dma_start3A_91 : memref<128x128xf32, #tpu.memory_space<vmem>>) offsets(%dma_start3A_94 : memref<128xi32, #tpu.memory_space<vmem>>) semaphore(%arg10 : memref<!tpu.dma_semaphore, #tpu.memory_space<semaphore_mem>>)
        } else {
        }
        %add3A_51 = arith.constant 256 : i32
        %add3A_52 = arith.addi %mul3A_41, %add3A_51 : i32
        %lt3A_53 = arith.cmpi slt, %add3A_52, %scan3A_31 : i32
        %convert_element_type3A_54 = arith.extui %lt3A_53 : i1 to i32
        %cond3A_55 = arith.constant 0 : i32
        %cond3A_56 = arith.cmpi ne, %convert_element_type3A_54, %cond3A_55 : i32
        scf.if %cond3A_56 {
          %mul3A_86 = arith.constant 3 : i32
          %mul3A_87 = arith.muli %scan3A_39, %mul3A_86 : i32
          %add3A_88 = arith.constant 2 : i32
          %add3A_89 = arith.addi %mul3A_87, %add3A_88 : i32
          %dma_start3A = arith.constant 256 : i32
          %dma_start3A_90 = arith.constant 0 : i32
          %dma_start3A_91 = tpu.memref_slice %arg8[%dma_start3A, %dma_start3A_90] : memref<384x128xf32, #tpu.memory_space<vmem>> -> memref<128x128xf32, #tpu.memory_space<vmem>>
          %dma_start3A_92 = arith.constant 0 : i32
          %dma_start3A_93 = tpu.memref_slice %arg6[%add3A_89, %dma_start3A_92] : memref<79x128xi32, #tpu.memory_space<vmem>> -> memref<1x128xi32, #tpu.memory_space<vmem>>
          %dma_start3A_94 = tpu.memref_squeeze %dma_start3A_93 : memref<1x128xi32, #tpu.memory_space<vmem>> -> memref<128xi32, #tpu.memory_space<vmem>>
          %dma_start3A_95 = arith.constant 0 : i32
          %dma_start3A_96 = arith.constant 0 : i32
          %dma_start3A_97 = tpu.memref_slice %arg3[%dma_start3A_95, %dma_start3A_96] : memref<320000x128xf32, #tpu.memory_space<hbm>> -> memref<320000x128xf32, #tpu.memory_space<hbm>>
          tpu.enqueue_indirect_dma source(%dma_start3A_97 : memref<320000x128xf32, #tpu.memory_space<hbm>>) target(%dma_start3A_91 : memref<128x128xf32, #tpu.memory_space<vmem>>) offsets(%dma_start3A_94 : memref<128xi32, #tpu.memory_space<vmem>>) semaphore(%arg10 : memref<!tpu.dma_semaphore, #tpu.memory_space<semaphore_mem>>)
        } else {
        }
        %add3A_57 = arith.constant 0 : i32
        %add3A_58 = arith.addi %mul3A_41, %add3A_57 : i32
        %lt3A_59 = arith.cmpi slt, %add3A_58, %scan3A_31 : i32
        %convert_element_type3A_60 = arith.extui %lt3A_59 : i1 to i32
        %cond3A_61 = arith.constant 0 : i32
        %cond3A_62 = arith.cmpi ne, %convert_element_type3A_60, %cond3A_61 : i32
        scf.if %cond3A_62 {
          %mul3A_86 = arith.constant 3 : i32
          %mul3A_87 = arith.muli %scan3A_39, %mul3A_86 : i32
          %add3A_88 = arith.constant 0 : i32
          %add3A_89 = arith.addi %mul3A_87, %add3A_88 : i32
          %dma_wait3A = arith.constant 0 : i32
          %dma_wait3A_90 = arith.constant 0 : i32
          %dma_wait3A_91 = tpu.memref_slice %arg8[%dma_wait3A, %dma_wait3A_90] : memref<384x128xf32, #tpu.memory_space<vmem>> -> memref<128x128xf32, #tpu.memory_space<vmem>>
          %dma_wait3A_92 = arith.constant 0 : i32
          %dma_wait3A_93 = tpu.memref_slice %arg6[%add3A_89, %dma_wait3A_92] : memref<79x128xi32, #tpu.memory_space<vmem>> -> memref<1x128xi32, #tpu.memory_space<vmem>>
          %dma_wait3A_94 = tpu.memref_squeeze %dma_wait3A_93 : memref<1x128xi32, #tpu.memory_space<vmem>> -> memref<128xi32, #tpu.memory_space<vmem>>
          %dma_wait3A_95 = arith.constant 0 : i32
          %dma_wait3A_96 = arith.constant 0 : i32
          %dma_wait3A_97 = tpu.memref_slice %arg3[%dma_wait3A_95, %dma_wait3A_96] : memref<320000x128xf32, #tpu.memory_space<hbm>> -> memref<320000x128xf32, #tpu.memory_space<hbm>>
          tpu.wait_indirect_dma semaphore(%arg10 : memref<!tpu.dma_semaphore, #tpu.memory_space<semaphore_mem>>) src(%dma_wait3A_97 : memref<320000x128xf32, #tpu.memory_space<hbm>>) dst(%dma_wait3A_91 : memref<128x128xf32, #tpu.memory_space<vmem>>)
        } else {
        }
        %add3A_63 = arith.constant 128 : i32
        %add3A_64 = arith.addi %mul3A_41, %add3A_63 : i32
        %lt3A_65 = arith.cmpi slt, %add3A_64, %scan3A_31 : i32
        %convert_element_type3A_66 = arith.extui %lt3A_65 : i1 to i32
        %cond3A_67 = arith.constant 0 : i32
        %cond3A_68 = arith.cmpi ne, %convert_element_type3A_66, %cond3A_67 : i32
        scf.if %cond3A_68 {
          %mul3A_86 = arith.constant 3 : i32
          %mul3A_87 = arith.muli %scan3A_39, %mul3A_86 : i32
          %add3A_88 = arith.constant 1 : i32
          %add3A_89 = arith.addi %mul3A_87, %add3A_88 : i32
          %dma_wait3A = arith.constant 128 : i32
          %dma_wait3A_90 = arith.constant 0 : i32
          %dma_wait3A_91 = tpu.memref_slice %arg8[%dma_wait3A, %dma_wait3A_90] : memref<384x128xf32, #tpu.memory_space<vmem>> -> memref<128x128xf32, #tpu.memory_space<vmem>>
          %dma_wait3A_92 = arith.constant 0 : i32
          %dma_wait3A_93 = tpu.memref_slice %arg6[%add3A_89, %dma_wait3A_92] : memref<79x128xi32, #tpu.memory_space<vmem>> -> memref<1x128xi32, #tpu.memory_space<vmem>>
          %dma_wait3A_94 = tpu.memref_squeeze %dma_wait3A_93 : memref<1x128xi32, #tpu.memory_space<vmem>> -> memref<128xi32, #tpu.memory_space<vmem>>
          %dma_wait3A_95 = arith.constant 0 : i32
          %dma_wait3A_96 = arith.constant 0 : i32
          %dma_wait3A_97 = tpu.memref_slice %arg3[%dma_wait3A_95, %dma_wait3A_96] : memref<320000x128xf32, #tpu.memory_space<hbm>> -> memref<320000x128xf32, #tpu.memory_space<hbm>>
          tpu.wait_indirect_dma semaphore(%arg10 : memref<!tpu.dma_semaphore, #tpu.memory_space<semaphore_mem>>) src(%dma_wait3A_97 : memref<320000x128xf32, #tpu.memory_space<hbm>>) dst(%dma_wait3A_91 : memref<128x128xf32, #tpu.memory_space<vmem>>)
        } else {
        }
        %add3A_69 = arith.constant 256 : i32
        %add3A_70 = arith.addi %mul3A_41, %add3A_69 : i32
        %lt3A_71 = arith.cmpi slt, %add3A_70, %scan3A_31 : i32
        %convert_element_type3A_72 = arith.extui %lt3A_71 : i1 to i32
        %cond3A_73 = arith.constant 0 : i32
        %cond3A_74 = arith.cmpi ne, %convert_element_type3A_72, %cond3A_73 : i32
        scf.if %cond3A_74 {
          %mul3A_86 = arith.constant 3 : i32
          %mul3A_87 = arith.muli %scan3A_39, %mul3A_86 : i32
          %add3A_88 = arith.constant 2 : i32
          %add3A_89 = arith.addi %mul3A_87, %add3A_88 : i32
          %dma_wait3A = arith.constant 256 : i32
          %dma_wait3A_90 = arith.constant 0 : i32
          %dma_wait3A_91 = tpu.memref_slice %arg8[%dma_wait3A, %dma_wait3A_90] : memref<384x128xf32, #tpu.memory_space<vmem>> -> memref<128x128xf32, #tpu.memory_space<vmem>>
          %dma_wait3A_92 = arith.constant 0 : i32
          %dma_wait3A_93 = tpu.memref_slice %arg6[%add3A_89, %dma_wait3A_92] : memref<79x128xi32, #tpu.memory_space<vmem>> -> memref<1x128xi32, #tpu.memory_space<vmem>>
          %dma_wait3A_94 = tpu.memref_squeeze %dma_wait3A_93 : memref<1x128xi32, #tpu.memory_space<vmem>> -> memref<128xi32, #tpu.memory_space<vmem>>
          %dma_wait3A_95 = arith.constant 0 : i32
          %dma_wait3A_96 = arith.constant 0 : i32
          %dma_wait3A_97 = tpu.memref_slice %arg3[%dma_wait3A_95, %dma_wait3A_96] : memref<320000x128xf32, #tpu.memory_space<hbm>> -> memref<320000x128xf32, #tpu.memory_space<hbm>>
          tpu.wait_indirect_dma semaphore(%arg10 : memref<!tpu.dma_semaphore, #tpu.memory_space<semaphore_mem>>) src(%dma_wait3A_97 : memref<320000x128xf32, #tpu.memory_space<hbm>>) dst(%dma_wait3A_91 : memref<128x128xf32, #tpu.memory_space<vmem>>)
        } else {
        }
        %sub3A = arith.subi %scan3A_31, %mul3A_41 : i32
        %min3A_75 = arith.constant 384 : i32
        %min3A_76 = arith.minsi %sub3A, %min3A_75 : i32
        %while3A = arith.constant 0 : i32
        %while3A_77 = arith.constant 0 : i32
        %while3A_78 = arith.subi %min3A_76, %while3A_77 : i32
        %while3A_79 = arith.addi %while3A_77, %while3A_78 : i32
        %while3A_80 = arith.constant 1 : i32
        %while3A_81 = arith.divsi %while3A_78, %while3A_80 : i32
        %while3A_82 = arith.muli %while3A_81, %while3A_80 : i32
        %while3A_83 = arith.addi %while3A_77, %while3A_82 : i32
        %while3A_84 = arith.constant 1 : i32
        scf.for %while3A_86 = %while3A_77 to %while3A_83 step %while3A_84  : i32 {
          %add3A_87 = arith.addi %mul3A_41, %while3A_86 : i32
          %get3A = arith.index_cast %add3A_87 : i32 to index
          %get3A_88 = tpu.vector_load %arg7[%get3A] {strides = array<i32>} : memref<10016xi32, #tpu.memory_space<vmem>>, vector<16xi32>,
          %slice3A = vector.extract_strided_slice %get3A_88 {offsets = [0], sizes = [1], strides = [1]} : vector<16xi32> to vector<1xi32>
          %squeeze3A = vector.extract %slice3A[0] : i32 from vector<1xi32>
          %scan3A_89 = arith.constant 0 : i32
          %scan3A_90 = arith.constant 0 : i32
          %scan3A_91 = arith.constant 8 : i32
          %scan3A_92 = arith.addi %scan3A_90, %scan3A_91 : i32
          %scan3A_93 = arith.constant 1 : i32
          scf.for %scan3A_95 = %scan3A_90 to %scan3A_92 step %scan3A_93  : i32 {
            %mul3A_96 = arith.constant 16 : i32
            %mul3A_97 = arith.muli %scan3A_95, %mul3A_96 : i32
            %get3A_98 = arith.index_cast %squeeze3A : i32 to index
            %get3A_99 = arith.index_cast %mul3A_97 : i32 to index
            %get3A_100 = tpu.vector_load %arg9[%get3A_98, %get3A_99] {strides = array<i32>} : memref<320x128xf32, #tpu.memory_space<vmem>>, vector<16xf32>,
            %get3A_101 = arith.index_cast %while3A_86 : i32 to index
            %get3A_102 = arith.index_cast %mul3A_97 : i32 to index
            %get3A_103 = tpu.vector_load %arg8[%get3A_101, %get3A_102] {strides = array<i32>} : memref<384x128xf32, #tpu.memory_space<vmem>>, vector<16xf32>,
            %max3A = arith.maximumf %get3A_100, %get3A_103 : vector<16xf32>
            %swap3A = arith.index_cast %squeeze3A : i32 to index
            %swap3A_104 = arith.index_cast %mul3A_97 : i32 to index
            %swap3A_105 = tpu.vector_load %arg9[%swap3A, %swap3A_104] {strides = array<i32>} : memref<320x128xf32, #tpu.memory_space<vmem>>, vector<16xf32>,
            tpu.vector_store %arg9[%swap3A, %swap3A_104], %max3A {strides = array<i32>} : memref<320x128xf32, #tpu.memory_space<vmem>>, vector<16xf32>,
          }
          %scan3A_94 = arith.constant 8 : i32
        }
        %while3A_85 = arith.constant 1 : i32
        scf.for %while3A_86 = %while3A_83 to %while3A_79 step %while3A_85  : i32 {
          %add3A_87 = arith.addi %mul3A_41, %while3A_86 : i32
          %get3A = arith.index_cast %add3A_87 : i32 to index
          %get3A_88 = tpu.vector_load %arg7[%get3A] {strides = array<i32>} : memref<10016xi32, #tpu.memory_space<vmem>>, vector<16xi32>,
          %slice3A = vector.extract_strided_slice %get3A_88 {offsets = [0], sizes = [1], strides = [1]} : vector<16xi32> to vector<1xi32>
          %squeeze3A = vector.extract %slice3A[0] : i32 from vector<1xi32>
          %scan3A_89 = arith.constant 0 : i32
          %scan3A_90 = arith.constant 0 : i32
          %scan3A_91 = arith.constant 8 : i32
          %scan3A_92 = arith.addi %scan3A_90, %scan3A_91 : i32
          %scan3A_93 = arith.constant 1 : i32
          scf.for %scan3A_95 = %scan3A_90 to %scan3A_92 step %scan3A_93  : i32 {
            %mul3A_96 = arith.constant 16 : i32
            %mul3A_97 = arith.muli %scan3A_95, %mul3A_96 : i32
            %get3A_98 = arith.index_cast %squeeze3A : i32 to index
            %get3A_99 = arith.index_cast %mul3A_97 : i32 to index
            %get3A_100 = tpu.vector_load %arg9[%get3A_98, %get3A_99] {strides = array<i32>} : memref<320x128xf32, #tpu.memory_space<vmem>>, vector<16xf32>,
            %get3A_101 = arith.index_cast %while3A_86 : i32 to index
            %get3A_102 = arith.index_cast %mul3A_97 : i32 to index
            %get3A_103 = tpu.vector_load %arg8[%get3A_101, %get3A_102] {strides = array<i32>} : memref<384x128xf32, #tpu.memory_space<vmem>>, vector<16xf32>,
            %max3A = arith.maximumf %get3A_100, %get3A_103 : vector<16xf32>
            %swap3A = arith.index_cast %squeeze3A : i32 to index
            %swap3A_104 = arith.index_cast %mul3A_97 : i32 to index
            %swap3A_105 = tpu.vector_load %arg9[%swap3A, %swap3A_104] {strides = array<i32>} : memref<320x128xf32, #tpu.memory_space<vmem>>, vector<16xf32>,
            tpu.vector_store %arg9[%swap3A, %swap3A_104], %max3A {strides = array<i32>} : memref<320x128xf32, #tpu.memory_space<vmem>>, vector<16xf32>,
          }
          %scan3A_94 = arith.constant 8 : i32
        }
      }
      %scan3A_38 = arith.constant 27 : i32
    }
    %scan3A_22 = arith.constant 32 : i32
    "tpu.region"() ({
      %run_scoped3A = tpu.sem_alloc : memref<!tpu.dma_semaphore, #tpu.memory_space<semaphore_mem>>
      %dma_start3A = arith.constant 0 : i32
      %dma_start3A_23 = tpu.memref_slice %arg4[%min3A_3, %dma_start3A] : memref<10000x128xf32, #tpu.memory_space<hbm>> -> memref<320x128xf32, #tpu.memory_space<hbm>>
      %dma_start3A_24 = arith.constant 0 : i32
      %dma_start3A_25 = tpu.memref_slice %arg4[%min3A_3, %dma_start3A_24] : memref<10000x128xf32, #tpu.memory_space<hbm>> -> memref<320x128xf32, #tpu.memory_space<hbm>>
      tpu.enqueue_dma source(%arg9 : memref<320x128xf32, #tpu.memory_space<vmem>>) target(%dma_start3A_25 : memref<320x128xf32, #tpu.memory_space<hbm>>) target_semaphore(%run_scoped3A : memref<!tpu.dma_semaphore, #tpu.memory_space<semaphore_mem>>)
      %dma_wait3A = arith.constant 0 : i32
      %dma_wait3A_26 = tpu.memref_slice %arg4[%min3A_3, %dma_wait3A] : memref<10000x128xf32, #tpu.memory_space<hbm>> -> memref<320x128xf32, #tpu.memory_space<hbm>>
      %dma_wait3A_27 = arith.constant 0 : i32
      %dma_wait3A_28 = tpu.memref_slice %arg4[%min3A_3, %dma_wait3A_27] : memref<10000x128xf32, #tpu.memory_space<hbm>> -> memref<320x128xf32, #tpu.memory_space<hbm>>
      tpu.wait_dma2 semaphore(%run_scoped3A : memref<!tpu.dma_semaphore, #tpu.memory_space<semaphore_mem>>) src(%arg9 : memref<320x128xf32, #tpu.memory_space<vmem>>) dst(%dma_wait3A_28 : memref<320x128xf32, #tpu.memory_space<hbm>>)
      tpu.yield
    }) : () -> ()
    return
  }
}

module attributes {stable_mosaic.version = 14 : i64} {
  func.func @_node_proj_body(%arg0: i32, %arg1: memref<1000x128xf32, #tpu.memory_space<vmem>>, %arg2: memref<1000x128xf32, #tpu.memory_space<vmem>>, %arg3: memref<128x128xf32, #tpu.memory_space<vmem>>, %arg4: memref<1x128xf32, #tpu.memory_space<vmem>>, %arg5: memref<128x128xf32, #tpu.memory_space<vmem>>, %arg6: memref<1x128xf32, #tpu.memory_space<vmem>>, %arg7: memref<128x128xf32, #tpu.memory_space<vmem>>, %arg8: memref<1x128xf32, #tpu.memory_space<vmem>>, %arg9: memref<128x128xf32, #tpu.memory_space<vmem>>, %arg10: memref<1x128xf32, #tpu.memory_space<vmem>>, %arg11: memref<128x128xf32, #tpu.memory_space<vmem>>, %arg12: memref<1x128xf32, #tpu.memory_space<vmem>>, %arg13: memref<128x128xf32, #tpu.memory_space<vmem>>, %arg14: memref<1x128xf32, #tpu.memory_space<vmem>>, %arg15: memref<128x128xf32, #tpu.memory_space<vmem>>, %arg16: memref<1x128xf32, #tpu.memory_space<vmem>>, %arg17: memref<1000x128xf32, #tpu.memory_space<vmem>>, %arg18: memref<1000x128xf32, #tpu.memory_space<vmem>>, %arg19: memref<1000x128xf32, #tpu.memory_space<vmem>>) attributes {dimension_semantics = [#tpu.dimension_semantics<arbitrary>], iteration_bounds = array<i64: 10>, scalar_prefetch = 0 : i64, scratch_operands = 0 : i64, tpu.core_type = #tpu.core_type<tc>, window_params = [{transform_indices = @transform_0, window_bounds = array<i64: 1000, 128>}, {transform_indices = @transform_1, window_bounds = array<i64: 1000, 128>}, {pipeline_mode = #tpu.pipeline_mode<synchronous>, transform_indices = @transform_2, window_bounds = array<i64: 128, 128>}, {pipeline_mode = #tpu.pipeline_mode<synchronous>, transform_indices = @transform_3, window_bounds = array<i64: 1, 128>}, {pipeline_mode = #tpu.pipeline_mode<synchronous>, transform_indices = @transform_4, window_bounds = array<i64: 128, 128>}, {pipeline_mode = #tpu.pipeline_mode<synchronous>, transform_indices = @transform_5, window_bounds = array<i64: 1, 128>}, {pipeline_mode = #tpu.pipeline_mode<synchronous>, transform_indices = @transform_6, window_bounds = array<i64: 128, 128>}, {pipeline_mode = #tpu.pipeline_mode<synchronous>, transform_indices = @transform_7, window_bounds = array<i64: 1, 128>}, {pipeline_mode = #tpu.pipeline_mode<synchronous>, transform_indices = @transform_8, window_bounds = array<i64: 128, 128>}, {pipeline_mode = #tpu.pipeline_mode<synchronous>, transform_indices = @transform_9, window_bounds = array<i64: 1, 128>}, {pipeline_mode = #tpu.pipeline_mode<synchronous>, transform_indices = @transform_10, window_bounds = array<i64: 128, 128>}, {pipeline_mode = #tpu.pipeline_mode<synchronous>, transform_indices = @transform_11, window_bounds = array<i64: 1, 128>}, {pipeline_mode = #tpu.pipeline_mode<synchronous>, transform_indices = @transform_12, window_bounds = array<i64: 128, 128>}, {pipeline_mode = #tpu.pipeline_mode<synchronous>, transform_indices = @transform_13, window_bounds = array<i64: 1, 128>}, {pipeline_mode = #tpu.pipeline_mode<synchronous>, transform_indices = @transform_14, window_bounds = array<i64: 128, 128>}, {pipeline_mode = #tpu.pipeline_mode<synchronous>, transform_indices = @transform_15, window_bounds = array<i64: 1, 128>}, {transform_indices = @transform_16, window_bounds = array<i64: 1000, 128>}, {transform_indices = @transform_17, window_bounds = array<i64: 1000, 128>}, {transform_indices = @transform_18, window_bounds = array<i64: 1000, 128>}]} {
    %get3A = arith.constant 0 : index
    %get3A_0 = arith.constant 0 : index
    %get3A_1 = vector.load %arg1[%get3A, %get3A_0] : memref<1000x128xf32, #tpu.memory_space<vmem>>, vector<1000x128xf32>
    %get3A_2 = arith.constant 0 : index
    %get3A_3 = arith.constant 0 : index
    %get3A_4 = vector.load %arg3[%get3A_2, %get3A_3] : memref<128x128xf32, #tpu.memory_space<vmem>>, vector<128x128xf32>
    %dot_general3A = arith.constant dense<0.000000e+00> : vector<1000x128xf32>
    %dot_general3A_5 = tpu.matmul %get3A_1, %get3A_4, %dot_general3A {dimension_numbers = #tpu.dot_dimension_numbers<[1], [0], [0], [1], [0, 0, 1, 1], [], []>, transpose_lhs_hint = false} : vector<1000x128xf32>, vector<128x128xf32>, vector<1000x128xf32> -> vector<1000x128xf32>
    %get3A_6 = arith.constant 0 : index
    %get3A_7 = arith.constant 0 : index
    %get3A_8 = vector.load %arg4[%get3A_6, %get3A_7] : memref<1x128xf32, #tpu.memory_space<vmem>>, vector<1x128xf32>
    %add3A = vector.broadcast %get3A_8 : vector<1x128xf32> to vector<1000x128xf32>
    %add3A_9 = arith.addf %dot_general3A_5, %add3A : vector<1000x128xf32>
    %get3A_10 = arith.constant 0 : index
    %get3A_11 = arith.constant 0 : index
    %get3A_12 = vector.load %arg7[%get3A_10, %get3A_11] : memref<128x128xf32, #tpu.memory_space<vmem>>, vector<128x128xf32>
    %dot_general3A_13 = arith.constant dense<0.000000e+00> : vector<1000x128xf32>
    %dot_general3A_14 = tpu.matmul %add3A_9, %get3A_12, %dot_general3A_13 {dimension_numbers = #tpu.dot_dimension_numbers<[1], [0], [0], [1], [0, 0, 1, 1], [], []>, transpose_lhs_hint = false} : vector<1000x128xf32>, vector<128x128xf32>, vector<1000x128xf32> -> vector<1000x128xf32>
    %get3A_15 = arith.constant 0 : index
    %get3A_16 = arith.constant 0 : index
    %get3A_17 = vector.load %arg8[%get3A_15, %get3A_16] : memref<1x128xf32, #tpu.memory_space<vmem>>, vector<1x128xf32>
    %add3A_18 = vector.broadcast %get3A_17 : vector<1x128xf32> to vector<1000x128xf32>
    %add3A_19 = arith.addf %dot_general3A_14, %add3A_18 : vector<1000x128xf32>
    %get3A_20 = arith.constant 0 : index
    %get3A_21 = arith.constant 0 : index
    %get3A_22 = vector.load %arg9[%get3A_20, %get3A_21] : memref<128x128xf32, #tpu.memory_space<vmem>>, vector<128x128xf32>
    %dot_general3A_23 = arith.constant dense<0.000000e+00> : vector<1000x128xf32>
    %dot_general3A_24 = tpu.matmul %add3A_19, %get3A_22, %dot_general3A_23 {dimension_numbers = #tpu.dot_dimension_numbers<[1], [0], [0], [1], [0, 0, 1, 1], [], []>, transpose_lhs_hint = false} : vector<1000x128xf32>, vector<128x128xf32>, vector<1000x128xf32> -> vector<1000x128xf32>
    %get3A_25 = arith.constant 0 : index
    %get3A_26 = arith.constant 0 : index
    %get3A_27 = vector.load %arg10[%get3A_25, %get3A_26] : memref<1x128xf32, #tpu.memory_space<vmem>>, vector<1x128xf32>
    %add3A_28 = vector.broadcast %get3A_27 : vector<1x128xf32> to vector<1000x128xf32>
    %add3A_29 = arith.addf %dot_general3A_24, %add3A_28 : vector<1000x128xf32>
    %add3A_30 = arith.addf %add3A_29, %add3A_9 : vector<1000x128xf32>
    %get3A_31 = arith.constant 0 : index
    %get3A_32 = arith.constant 0 : index
    %get3A_33 = vector.load %arg2[%get3A_31, %get3A_32] : memref<1000x128xf32, #tpu.memory_space<vmem>>, vector<1000x128xf32>
    %get3A_34 = arith.constant 0 : index
    %get3A_35 = arith.constant 0 : index
    %get3A_36 = vector.load %arg5[%get3A_34, %get3A_35] : memref<128x128xf32, #tpu.memory_space<vmem>>, vector<128x128xf32>
    %dot_general3A_37 = arith.constant dense<0.000000e+00> : vector<1000x128xf32>
    %dot_general3A_38 = tpu.matmul %get3A_33, %get3A_36, %dot_general3A_37 {dimension_numbers = #tpu.dot_dimension_numbers<[1], [0], [0], [1], [0, 0, 1, 1], [], []>, transpose_lhs_hint = false} : vector<1000x128xf32>, vector<128x128xf32>, vector<1000x128xf32> -> vector<1000x128xf32>
    %get3A_39 = arith.constant 0 : index
    %get3A_40 = arith.constant 0 : index
    %get3A_41 = vector.load %arg6[%get3A_39, %get3A_40] : memref<1x128xf32, #tpu.memory_space<vmem>>, vector<1x128xf32>
    %add3A_42 = vector.broadcast %get3A_41 : vector<1x128xf32> to vector<1000x128xf32>
    %add3A_43 = arith.addf %dot_general3A_38, %add3A_42 : vector<1000x128xf32>
    %get3A_44 = arith.constant 0 : index
    %get3A_45 = arith.constant 0 : index
    %get3A_46 = vector.load %arg11[%get3A_44, %get3A_45] : memref<128x128xf32, #tpu.memory_space<vmem>>, vector<128x128xf32>
    %dot_general3A_47 = arith.constant dense<0.000000e+00> : vector<1000x128xf32>
    %dot_general3A_48 = tpu.matmul %add3A_43, %get3A_46, %dot_general3A_47 {dimension_numbers = #tpu.dot_dimension_numbers<[1], [0], [0], [1], [0, 0, 1, 1], [], []>, transpose_lhs_hint = false} : vector<1000x128xf32>, vector<128x128xf32>, vector<1000x128xf32> -> vector<1000x128xf32>
    %get3A_49 = arith.constant 0 : index
    %get3A_50 = arith.constant 0 : index
    %get3A_51 = vector.load %arg12[%get3A_49, %get3A_50] : memref<1x128xf32, #tpu.memory_space<vmem>>, vector<1x128xf32>
    %add3A_52 = vector.broadcast %get3A_51 : vector<1x128xf32> to vector<1000x128xf32>
    %add3A_53 = arith.addf %dot_general3A_48, %add3A_52 : vector<1000x128xf32>
    %get3A_54 = arith.constant 0 : index
    %get3A_55 = arith.constant 0 : index
    %get3A_56 = vector.load %arg13[%get3A_54, %get3A_55] : memref<128x128xf32, #tpu.memory_space<vmem>>, vector<128x128xf32>
    %dot_general3A_57 = arith.constant dense<0.000000e+00> : vector<1000x128xf32>
    %dot_general3A_58 = tpu.matmul %add3A_53, %get3A_56, %dot_general3A_57 {dimension_numbers = #tpu.dot_dimension_numbers<[1], [0], [0], [1], [0, 0, 1, 1], [], []>, transpose_lhs_hint = false} : vector<1000x128xf32>, vector<128x128xf32>, vector<1000x128xf32> -> vector<1000x128xf32>
    %get3A_59 = arith.constant 0 : index
    %get3A_60 = arith.constant 0 : index
    %get3A_61 = vector.load %arg14[%get3A_59, %get3A_60] : memref<1x128xf32, #tpu.memory_space<vmem>>, vector<1x128xf32>
    %add3A_62 = vector.broadcast %get3A_61 : vector<1x128xf32> to vector<1000x128xf32>
    %add3A_63 = arith.addf %dot_general3A_58, %add3A_62 : vector<1000x128xf32>
    %add3A_64 = arith.addf %add3A_63, %add3A_43 : vector<1000x128xf32>
    %swap3A = arith.constant 0 : index
    %swap3A_65 = arith.constant 0 : index
    %swap3A_66 = vector.load %arg17[%swap3A, %swap3A_65] : memref<1000x128xf32, #tpu.memory_space<vmem>>, vector<1000x128xf32>
    tpu.vector_store %arg17[%swap3A, %swap3A_65], %add3A_30 {strides = array<i32>} : memref<1000x128xf32, #tpu.memory_space<vmem>>, vector<1000x128xf32>,
    %swap3A_67 = arith.constant 0 : index
    %swap3A_68 = arith.constant 0 : index
    %swap3A_69 = vector.load %arg18[%swap3A_67, %swap3A_68] : memref<1000x128xf32, #tpu.memory_space<vmem>>, vector<1000x128xf32>
    tpu.vector_store %arg18[%swap3A_67, %swap3A_68], %add3A_64 {strides = array<i32>} : memref<1000x128xf32, #tpu.memory_space<vmem>>, vector<1000x128xf32>,
    %get3A_70 = arith.constant 0 : index
    %get3A_71 = arith.constant 0 : index
    %get3A_72 = vector.load %arg15[%get3A_70, %get3A_71] : memref<128x128xf32, #tpu.memory_space<vmem>>, vector<128x128xf32>
    %dot_general3A_73 = arith.constant dense<0.000000e+00> : vector<1000x128xf32>
    %dot_general3A_74 = tpu.matmul %add3A_64, %get3A_72, %dot_general3A_73 {dimension_numbers = #tpu.dot_dimension_numbers<[1], [0], [0], [1], [0, 0, 1, 1], [], []>, transpose_lhs_hint = false} : vector<1000x128xf32>, vector<128x128xf32>, vector<1000x128xf32> -> vector<1000x128xf32>
    %get3A_75 = arith.constant 0 : index
    %get3A_76 = arith.constant 0 : index
    %get3A_77 = vector.load %arg16[%get3A_75, %get3A_76] : memref<1x128xf32, #tpu.memory_space<vmem>>, vector<1x128xf32>
    %add3A_78 = vector.broadcast %get3A_77 : vector<1x128xf32> to vector<1000x128xf32>
    %add3A_79 = arith.addf %dot_general3A_74, %add3A_78 : vector<1000x128xf32>
    %swap3A_80 = arith.constant 0 : index
    %swap3A_81 = arith.constant 0 : index
    %swap3A_82 = vector.load %arg19[%swap3A_80, %swap3A_81] : memref<1000x128xf32, #tpu.memory_space<vmem>>, vector<1000x128xf32>
    tpu.vector_store %arg19[%swap3A_80, %swap3A_81], %add3A_79 {strides = array<i32>} : memref<1000x128xf32, #tpu.memory_space<vmem>>, vector<1000x128xf32>,
    return
  }
  func.func @transform_0(%arg0: i32) -> (i32, i32) {
    %c0_i32 = arith.constant 0 : i32
    %c0_i32_0 = arith.constant 0 : i32
    return %arg0, %c0_i32 : i32, i32
  }
  func.func @transform_1(%arg0: i32) -> (i32, i32) {
    %c0_i32 = arith.constant 0 : i32
    %c0_i32_0 = arith.constant 0 : i32
    return %arg0, %c0_i32 : i32, i32
  }
  func.func @transform_2(%arg0: i32) -> (i32, i32) {
    %c0_i32 = arith.constant 0 : i32
    %c0_i32_0 = arith.constant 0 : i32
    %c0_i32_1 = arith.constant 0 : i32
    return %c0_i32, %c0_i32_0 : i32, i32
  }
  func.func @transform_3(%arg0: i32) -> (i32, i32) {
    %c0_i32 = arith.constant 0 : i32
    %c0_i32_0 = arith.constant 0 : i32
    %c0_i32_1 = arith.constant 0 : i32
    return %c0_i32, %c0_i32_0 : i32, i32
  }
  func.func @transform_4(%arg0: i32) -> (i32, i32) {
    %c0_i32 = arith.constant 0 : i32
    %c0_i32_0 = arith.constant 0 : i32
    %c0_i32_1 = arith.constant 0 : i32
    return %c0_i32, %c0_i32_0 : i32, i32
  }
  func.func @transform_5(%arg0: i32) -> (i32, i32) {
    %c0_i32 = arith.constant 0 : i32
    %c0_i32_0 = arith.constant 0 : i32
    %c0_i32_1 = arith.constant 0 : i32
    return %c0_i32, %c0_i32_0 : i32, i32
  }
  func.func @transform_6(%arg0: i32) -> (i32, i32) {
    %c0_i32 = arith.constant 0 : i32
    %c0_i32_0 = arith.constant 0 : i32
    %c0_i32_1 = arith.constant 0 : i32
    return %c0_i32, %c0_i32_0 : i32, i32
  }
  func.func @transform_7(%arg0: i32) -> (i32, i32) {
    %c0_i32 = arith.constant 0 : i32
    %c0_i32_0 = arith.constant 0 : i32
    %c0_i32_1 = arith.constant 0 : i32
    return %c0_i32, %c0_i32_0 : i32, i32
  }
  func.func @transform_8(%arg0: i32) -> (i32, i32) {
    %c0_i32 = arith.constant 0 : i32
    %c0_i32_0 = arith.constant 0 : i32
    %c0_i32_1 = arith.constant 0 : i32
    return %c0_i32, %c0_i32_0 : i32, i32
  }
  func.func @transform_9(%arg0: i32) -> (i32, i32) {
    %c0_i32 = arith.constant 0 : i32
    %c0_i32_0 = arith.constant 0 : i32
    %c0_i32_1 = arith.constant 0 : i32
    return %c0_i32, %c0_i32_0 : i32, i32
  }
  func.func @transform_10(%arg0: i32) -> (i32, i32) {
    %c0_i32 = arith.constant 0 : i32
    %c0_i32_0 = arith.constant 0 : i32
    %c0_i32_1 = arith.constant 0 : i32
    return %c0_i32, %c0_i32_0 : i32, i32
  }
  func.func @transform_11(%arg0: i32) -> (i32, i32) {
    %c0_i32 = arith.constant 0 : i32
    %c0_i32_0 = arith.constant 0 : i32
    %c0_i32_1 = arith.constant 0 : i32
    return %c0_i32, %c0_i32_0 : i32, i32
  }
  func.func @transform_12(%arg0: i32) -> (i32, i32) {
    %c0_i32 = arith.constant 0 : i32
    %c0_i32_0 = arith.constant 0 : i32
    %c0_i32_1 = arith.constant 0 : i32
    return %c0_i32, %c0_i32_0 : i32, i32
  }
  func.func @transform_13(%arg0: i32) -> (i32, i32) {
    %c0_i32 = arith.constant 0 : i32
    %c0_i32_0 = arith.constant 0 : i32
    %c0_i32_1 = arith.constant 0 : i32
    return %c0_i32, %c0_i32_0 : i32, i32
  }
  func.func @transform_14(%arg0: i32) -> (i32, i32) {
    %c0_i32 = arith.constant 0 : i32
    %c0_i32_0 = arith.constant 0 : i32
    %c0_i32_1 = arith.constant 0 : i32
    return %c0_i32, %c0_i32_0 : i32, i32
  }
  func.func @transform_15(%arg0: i32) -> (i32, i32) {
    %c0_i32 = arith.constant 0 : i32
    %c0_i32_0 = arith.constant 0 : i32
    %c0_i32_1 = arith.constant 0 : i32
    return %c0_i32, %c0_i32_0 : i32, i32
  }
  func.func @transform_16(%arg0: i32) -> (i32, i32) {
    %c0_i32 = arith.constant 0 : i32
    %c0_i32_0 = arith.constant 0 : i32
    return %arg0, %c0_i32 : i32, i32
  }
  func.func @transform_17(%arg0: i32) -> (i32, i32) {
    %c0_i32 = arith.constant 0 : i32
    %c0_i32_0 = arith.constant 0 : i32
    return %arg0, %c0_i32 : i32, i32
  }
  func.func @transform_18(%arg0: i32) -> (i32, i32) {
    %c0_i32 = arith.constant 0 : i32
    %c0_i32_0 = arith.constant 0 : i32
    return %arg0, %c0_i32 : i32, i32
  }
}

module attributes {stable_mosaic.version = 14 : i64} {
  func.func @_edge_mlp_body(%arg0: i32, %arg1: memref<2560x128xf32, #tpu.memory_space<vmem>>, %arg2: memref<2560x128xf32, #tpu.memory_space<vmem>>, %arg3: memref<128x256xf32, #tpu.memory_space<vmem>>, %arg4: memref<128x256xf32, #tpu.memory_space<vmem>>, %arg5: memref<1x256xf32, #tpu.memory_space<vmem>>, %arg6: memref<256x8xf32, #tpu.memory_space<vmem>>, %arg7: memref<1x8xf32, #tpu.memory_space<vmem>>, %arg8: memref<256x128xf32, #tpu.memory_space<vmem>>, %arg9: memref<1x128xf32, #tpu.memory_space<vmem>>, %arg10: memref<256x128xf32, #tpu.memory_space<vmem>>, %arg11: memref<1x128xf32, #tpu.memory_space<vmem>>, %arg12: memref<2560x128xf32, #tpu.memory_space<vmem>>, %arg13: memref<2560x128xf32, #tpu.memory_space<vmem>>) attributes {dimension_semantics = [#tpu.dimension_semantics<arbitrary>], iteration_bounds = array<i64: 125>, scalar_prefetch = 0 : i64, scratch_operands = 0 : i64, tpu.core_type = #tpu.core_type<tc>, window_params = [{transform_indices = @transform_0, window_bounds = array<i64: 2560, 128>}, {transform_indices = @transform_1, window_bounds = array<i64: 2560, 128>}, {pipeline_mode = #tpu.pipeline_mode<synchronous>, transform_indices = @transform_2, window_bounds = array<i64: 128, 256>}, {pipeline_mode = #tpu.pipeline_mode<synchronous>, transform_indices = @transform_3, window_bounds = array<i64: 128, 256>}, {pipeline_mode = #tpu.pipeline_mode<synchronous>, transform_indices = @transform_4, window_bounds = array<i64: 1, 256>}, {pipeline_mode = #tpu.pipeline_mode<synchronous>, transform_indices = @transform_5, window_bounds = array<i64: 256, 8>}, {pipeline_mode = #tpu.pipeline_mode<synchronous>, transform_indices = @transform_6, window_bounds = array<i64: 1, 8>}, {pipeline_mode = #tpu.pipeline_mode<synchronous>, transform_indices = @transform_7, window_bounds = array<i64: 256, 128>}, {pipeline_mode = #tpu.pipeline_mode<synchronous>, transform_indices = @transform_8, window_bounds = array<i64: 1, 128>}, {pipeline_mode = #tpu.pipeline_mode<synchronous>, transform_indices = @transform_9, window_bounds = array<i64: 256, 128>}, {pipeline_mode = #tpu.pipeline_mode<synchronous>, transform_indices = @transform_10, window_bounds = array<i64: 1, 128>}, {transform_indices = @transform_11, window_bounds = array<i64: 2560, 128>}, {transform_indices = @transform_12, window_bounds = array<i64: 2560, 128>}]} {
    %get3A = arith.constant 0 : index
    %get3A_0 = arith.constant 0 : index
    %get3A_1 = vector.load %arg1[%get3A, %get3A_0] : memref<2560x128xf32, #tpu.memory_space<vmem>>, vector<2560x128xf32>
    %get3A_2 = arith.constant 0 : index
    %get3A_3 = arith.constant 0 : index
    %get3A_4 = vector.load %arg3[%get3A_2, %get3A_3] : memref<128x256xf32, #tpu.memory_space<vmem>>, vector<128x256xf32>
    %dot_general3A = arith.constant dense<0.000000e+00> : vector<2560x256xf32>
    %dot_general3A_5 = tpu.matmul %get3A_1, %get3A_4, %dot_general3A {dimension_numbers = #tpu.dot_dimension_numbers<[1], [0], [0], [1], [0, 0, 1, 1], [], []>, transpose_lhs_hint = false} : vector<2560x128xf32>, vector<128x256xf32>, vector<2560x256xf32> -> vector<2560x256xf32>
    %get3A_6 = arith.constant 0 : index
    %get3A_7 = arith.constant 0 : index
    %get3A_8 = vector.load %arg2[%get3A_6, %get3A_7] : memref<2560x128xf32, #tpu.memory_space<vmem>>, vector<2560x128xf32>
    %get3A_9 = arith.constant 0 : index
    %get3A_10 = arith.constant 0 : index
    %get3A_11 = vector.load %arg4[%get3A_9, %get3A_10] : memref<128x256xf32, #tpu.memory_space<vmem>>, vector<128x256xf32>
    %dot_general3A_12 = arith.constant dense<0.000000e+00> : vector<2560x256xf32>
    %dot_general3A_13 = tpu.matmul %get3A_8, %get3A_11, %dot_general3A_12 {dimension_numbers = #tpu.dot_dimension_numbers<[1], [0], [0], [1], [0, 0, 1, 1], [], []>, transpose_lhs_hint = false} : vector<2560x128xf32>, vector<128x256xf32>, vector<2560x256xf32> -> vector<2560x256xf32>
    %add3A = arith.addf %dot_general3A_5, %dot_general3A_13 : vector<2560x256xf32>
    %get3A_14 = arith.constant 0 : index
    %get3A_15 = arith.constant 0 : index
    %get3A_16 = vector.load %arg5[%get3A_14, %get3A_15] : memref<1x256xf32, #tpu.memory_space<vmem>>, vector<1x256xf32>
    %add3A_17 = vector.broadcast %get3A_16 : vector<1x256xf32> to vector<2560x256xf32>
    %add3A_18 = arith.addf %add3A, %add3A_17 : vector<2560x256xf32>
    %ge3A = arith.constant 0.000000e+00 : f32
    %ge3A_19 = vector.broadcast %ge3A : f32 to vector<2560x256xf32>
    %ge3A_20 = arith.cmpf oge, %add3A_18, %ge3A_19 : vector<2560x256xf32>
    %mul3A = arith.constant 2.000000e-01 : f32
    %mul3A_21 = vector.broadcast %mul3A : f32 to vector<2560x256xf32>
    %mul3A_22 = arith.mulf %mul3A_21, %add3A_18 : vector<2560x256xf32>
    %select_n3A = arith.select %ge3A_20, %add3A_18, %mul3A_22 : vector<2560x256xi1>, vector<2560x256xf32>
    %get3A_23 = arith.constant 0 : index
    %get3A_24 = arith.constant 0 : index
    %get3A_25 = vector.load %arg6[%get3A_23, %get3A_24] : memref<256x8xf32, #tpu.memory_space<vmem>>, vector<256x8xf32>
    %dot_general3A_26 = arith.constant dense<0.000000e+00> : vector<2560x8xf32>
    %dot_general3A_27 = tpu.matmul %select_n3A, %get3A_25, %dot_general3A_26 {dimension_numbers = #tpu.dot_dimension_numbers<[1], [0], [0], [1], [0, 0, 1, 1], [], []>, transpose_lhs_hint = false} : vector<2560x256xf32>, vector<256x8xf32>, vector<2560x8xf32> -> vector<2560x8xf32>
    %get3A_28 = arith.constant 0 : index
    %get3A_29 = arith.constant 0 : index
    %get3A_30 = vector.load %arg7[%get3A_28, %get3A_29] : memref<1x8xf32, #tpu.memory_space<vmem>>, vector<1x8xf32>
    %add3A_31 = vector.broadcast %get3A_30 : vector<1x8xf32> to vector<2560x8xf32>
    %add3A_32 = arith.addf %dot_general3A_27, %add3A_31 : vector<2560x8xf32>
    %logistic3A = arith.negf %add3A_32 : vector<2560x8xf32>
    %logistic3A_33 = math.exp %logistic3A : vector<2560x8xf32>
    %logistic3A_34 = arith.constant 1.000000e+00 : f32
    %logistic3A_35 = vector.broadcast %logistic3A_34 : f32 to vector<2560x8xf32>
    %logistic3A_36 = arith.addf %logistic3A_35, %logistic3A_33 : vector<2560x8xf32>
    %logistic3A_37 = arith.divf %logistic3A_35, %logistic3A_36 : vector<2560x8xf32>
    %slice3A = vector.extract_strided_slice %logistic3A_37 {offsets = [0, 0], sizes = [2560, 1], strides = [1, 1]} : vector<2560x8xf32> to vector<2560x1xf32>
    %get3A_38 = arith.constant 0 : index
    %get3A_39 = arith.constant 0 : index
    %get3A_40 = vector.load %arg8[%get3A_38, %get3A_39] : memref<256x128xf32, #tpu.memory_space<vmem>>, vector<256x128xf32>
    %dot_general3A_41 = arith.constant dense<0.000000e+00> : vector<2560x128xf32>
    %dot_general3A_42 = tpu.matmul %select_n3A, %get3A_40, %dot_general3A_41 {dimension_numbers = #tpu.dot_dimension_numbers<[1], [0], [0], [1], [0, 0, 1, 1], [], []>, transpose_lhs_hint = false} : vector<2560x256xf32>, vector<256x128xf32>, vector<2560x128xf32> -> vector<2560x128xf32>
    %get3A_43 = arith.constant 0 : index
    %get3A_44 = arith.constant 0 : index
    %get3A_45 = vector.load %arg9[%get3A_43, %get3A_44] : memref<1x128xf32, #tpu.memory_space<vmem>>, vector<1x128xf32>
    %add3A_46 = vector.broadcast %get3A_45 : vector<1x128xf32> to vector<2560x128xf32>
    %add3A_47 = arith.addf %dot_general3A_42, %add3A_46 : vector<2560x128xf32>
    %get3A_48 = arith.constant 0 : index
    %get3A_49 = arith.constant 0 : index
    %get3A_50 = vector.load %arg10[%get3A_48, %get3A_49] : memref<256x128xf32, #tpu.memory_space<vmem>>, vector<256x128xf32>
    %dot_general3A_51 = arith.constant dense<0.000000e+00> : vector<2560x128xf32>
    %dot_general3A_52 = tpu.matmul %select_n3A, %get3A_50, %dot_general3A_51 {dimension_numbers = #tpu.dot_dimension_numbers<[1], [0], [0], [1], [0, 0, 1, 1], [], []>, transpose_lhs_hint = false} : vector<2560x256xf32>, vector<256x128xf32>, vector<2560x128xf32> -> vector<2560x128xf32>
    %get3A_53 = arith.constant 0 : index
    %get3A_54 = arith.constant 0 : index
    %get3A_55 = vector.load %arg11[%get3A_53, %get3A_54] : memref<1x128xf32, #tpu.memory_space<vmem>>, vector<1x128xf32>
    %add3A_56 = vector.broadcast %get3A_55 : vector<1x128xf32> to vector<2560x128xf32>
    %add3A_57 = arith.addf %dot_general3A_52, %add3A_56 : vector<2560x128xf32>
    %mul3A_58 = vector.broadcast %slice3A : vector<2560x1xf32> to vector<2560x128xf32>
    %mul3A_59 = arith.mulf %add3A_47, %mul3A_58 : vector<2560x128xf32>
    %swap3A = arith.constant 0 : index
    %swap3A_60 = arith.constant 0 : index
    %swap3A_61 = vector.load %arg12[%swap3A, %swap3A_60] : memref<2560x128xf32, #tpu.memory_space<vmem>>, vector<2560x128xf32>
    tpu.vector_store %arg12[%swap3A, %swap3A_60], %mul3A_59 {strides = array<i32>} : memref<2560x128xf32, #tpu.memory_space<vmem>>, vector<2560x128xf32>,
    %mul3A_62 = vector.broadcast %slice3A : vector<2560x1xf32> to vector<2560x128xf32>
    %mul3A_63 = arith.mulf %add3A_57, %mul3A_62 : vector<2560x128xf32>
    %swap3A_64 = arith.constant 0 : index
    %swap3A_65 = arith.constant 0 : index
    %swap3A_66 = vector.load %arg13[%swap3A_64, %swap3A_65] : memref<2560x128xf32, #tpu.memory_space<vmem>>, vector<2560x128xf32>
    tpu.vector_store %arg13[%swap3A_64, %swap3A_65], %mul3A_63 {strides = array<i32>} : memref<2560x128xf32, #tpu.memory_space<vmem>>, vector<2560x128xf32>,
    return
  }
  func.func @transform_0(%arg0: i32) -> (i32, i32) {
    %c0_i32 = arith.constant 0 : i32
    %c0_i32_0 = arith.constant 0 : i32
    return %arg0, %c0_i32 : i32, i32
  }
  func.func @transform_1(%arg0: i32) -> (i32, i32) {
    %c0_i32 = arith.constant 0 : i32
    %c0_i32_0 = arith.constant 0 : i32
    return %arg0, %c0_i32 : i32, i32
  }
  func.func @transform_2(%arg0: i32) -> (i32, i32) {
    %c0_i32 = arith.constant 0 : i32
    %c0_i32_0 = arith.constant 0 : i32
    %c0_i32_1 = arith.constant 0 : i32
    return %c0_i32, %c0_i32_0 : i32, i32
  }
  func.func @transform_3(%arg0: i32) -> (i32, i32) {
    %c0_i32 = arith.constant 0 : i32
    %c0_i32_0 = arith.constant 0 : i32
    %c0_i32_1 = arith.constant 0 : i32
    return %c0_i32, %c0_i32_0 : i32, i32
  }
  func.func @transform_4(%arg0: i32) -> (i32, i32) {
    %c0_i32 = arith.constant 0 : i32
    %c0_i32_0 = arith.constant 0 : i32
    %c0_i32_1 = arith.constant 0 : i32
    return %c0_i32, %c0_i32_0 : i32, i32
  }
  func.func @transform_5(%arg0: i32) -> (i32, i32) {
    %c0_i32 = arith.constant 0 : i32
    %c0_i32_0 = arith.constant 0 : i32
    %c0_i32_1 = arith.constant 0 : i32
    return %c0_i32, %c0_i32_0 : i32, i32
  }
  func.func @transform_6(%arg0: i32) -> (i32, i32) {
    %c0_i32 = arith.constant 0 : i32
    %c0_i32_0 = arith.constant 0 : i32
    %c0_i32_1 = arith.constant 0 : i32
    return %c0_i32, %c0_i32_0 : i32, i32
  }
  func.func @transform_7(%arg0: i32) -> (i32, i32) {
    %c0_i32 = arith.constant 0 : i32
    %c0_i32_0 = arith.constant 0 : i32
    %c0_i32_1 = arith.constant 0 : i32
    return %c0_i32, %c0_i32_0 : i32, i32
  }
  func.func @transform_8(%arg0: i32) -> (i32, i32) {
    %c0_i32 = arith.constant 0 : i32
    %c0_i32_0 = arith.constant 0 : i32
    %c0_i32_1 = arith.constant 0 : i32
    return %c0_i32, %c0_i32_0 : i32, i32
  }
  func.func @transform_9(%arg0: i32) -> (i32, i32) {
    %c0_i32 = arith.constant 0 : i32
    %c0_i32_0 = arith.constant 0 : i32
    %c0_i32_1 = arith.constant 0 : i32
    return %c0_i32, %c0_i32_0 : i32, i32
  }
  func.func @transform_10(%arg0: i32) -> (i32, i32) {
    %c0_i32 = arith.constant 0 : i32
    %c0_i32_0 = arith.constant 0 : i32
    %c0_i32_1 = arith.constant 0 : i32
    return %c0_i32, %c0_i32_0 : i32, i32
  }
  func.func @transform_11(%arg0: i32) -> (i32, i32) {
    %c0_i32 = arith.constant 0 : i32
    %c0_i32_0 = arith.constant 0 : i32
    return %arg0, %c0_i32 : i32, i32
  }
  func.func @transform_12(%arg0: i32) -> (i32, i32) {
    %c0_i32 = arith.constant 0 : i32
    %c0_i32_0 = arith.constant 0 : i32
    return %arg0, %c0_i32 : i32, i32
  }
}

module attributes {stable_mosaic.version = 14 : i64} {
  func.func @_final_body(%arg0: i32, %arg1: memref<1000x128xf32, #tpu.memory_space<vmem>>, %arg2: memref<1x1000x128xf32, #tpu.memory_space<vmem>>, %arg3: memref<1x1000x128xf32, #tpu.memory_space<vmem>>, %arg4: memref<1000x128xf32, #tpu.memory_space<vmem>>, %arg5: memref<128x128xf32, #tpu.memory_space<vmem>>, %arg6: memref<128x128xf32, #tpu.memory_space<vmem>>, %arg7: memref<128x128xf32, #tpu.memory_space<vmem>>, %arg8: memref<1x128xf32, #tpu.memory_space<vmem>>, %arg9: memref<128x128xf32, #tpu.memory_space<vmem>>, %arg10: memref<128x128xf32, #tpu.memory_space<vmem>>, %arg11: memref<1x128xf32, #tpu.memory_space<vmem>>, %arg12: memref<1000x128xf32, #tpu.memory_space<vmem>>) attributes {dimension_semantics = [#tpu.dimension_semantics<arbitrary>], iteration_bounds = array<i64: 10>, scalar_prefetch = 0 : i64, scratch_operands = 0 : i64, tpu.core_type = #tpu.core_type<tc>, window_params = [{transform_indices = @transform_0, window_bounds = array<i64: 1000, 128>}, {transform_indices = @transform_1, window_bounds = array<i64: 1, 1000, 128>}, {transform_indices = @transform_2, window_bounds = array<i64: 1, 1000, 128>}, {transform_indices = @transform_3, window_bounds = array<i64: 1000, 128>}, {pipeline_mode = #tpu.pipeline_mode<synchronous>, transform_indices = @transform_4, window_bounds = array<i64: 128, 128>}, {pipeline_mode = #tpu.pipeline_mode<synchronous>, transform_indices = @transform_5, window_bounds = array<i64: 128, 128>}, {pipeline_mode = #tpu.pipeline_mode<synchronous>, transform_indices = @transform_6, window_bounds = array<i64: 128, 128>}, {pipeline_mode = #tpu.pipeline_mode<synchronous>, transform_indices = @transform_7, window_bounds = array<i64: 1, 128>}, {pipeline_mode = #tpu.pipeline_mode<synchronous>, transform_indices = @transform_8, window_bounds = array<i64: 128, 128>}, {pipeline_mode = #tpu.pipeline_mode<synchronous>, transform_indices = @transform_9, window_bounds = array<i64: 128, 128>}, {pipeline_mode = #tpu.pipeline_mode<synchronous>, transform_indices = @transform_10, window_bounds = array<i64: 1, 128>}, {transform_indices = @transform_11, window_bounds = array<i64: 1000, 128>}]} {
    %get3A = arith.constant 0 : index
    %get3A_0 = arith.constant 0 : index
    %get3A_1 = arith.constant 0 : index
    %get3A_2 = vector.load %arg2[%get3A, %get3A_0, %get3A_1] : memref<1x1000x128xf32, #tpu.memory_space<vmem>>, vector<1x1000x128xf32>
    %get3A_3 = vector.shape_cast %get3A_2 : vector<1x1000x128xf32> to vector<1000x128xf32>
    %get3A_4 = arith.constant 0 : index
    %get3A_5 = arith.constant 0 : index
    %get3A_6 = arith.constant 0 : index
    %get3A_7 = vector.load %arg3[%get3A_4, %get3A_5, %get3A_6] : memref<1x1000x128xf32, #tpu.memory_space<vmem>>, vector<1x1000x128xf32>
    %get3A_8 = vector.shape_cast %get3A_7 : vector<1x1000x128xf32> to vector<1000x128xf32>
    %add3A = arith.addf %get3A_3, %get3A_8 : vector<1000x128xf32>
    %get3A_9 = arith.constant 0 : index
    %get3A_10 = arith.constant 0 : index
    %get3A_11 = vector.load %arg4[%get3A_9, %get3A_10] : memref<1000x128xf32, #tpu.memory_space<vmem>>, vector<1000x128xf32>
    %le3A = arith.constant -9.99999968E+37 : f32
    %le3A_12 = vector.broadcast %le3A : f32 to vector<1000x128xf32>
    %le3A_13 = arith.cmpf ole, %get3A_11, %le3A_12 : vector<1000x128xf32>
    %jit3A = arith.constant 0.000000e+00 : f32
    %broadcast_in_dim3A = vector.broadcast %jit3A : f32 to vector<1000x128xf32>
    %select_n3A = arith.select %le3A_13, %broadcast_in_dim3A, %get3A_11 : vector<1000x128xi1>, vector<1000x128xf32>
    %get3A_14 = arith.constant 0 : index
    %get3A_15 = arith.constant 0 : index
    %get3A_16 = vector.load %arg1[%get3A_14, %get3A_15] : memref<1000x128xf32, #tpu.memory_space<vmem>>, vector<1000x128xf32>
    %get3A_17 = arith.constant 0 : index
    %get3A_18 = arith.constant 0 : index
    %get3A_19 = vector.load %arg5[%get3A_17, %get3A_18] : memref<128x128xf32, #tpu.memory_space<vmem>>, vector<128x128xf32>
    %dot_general3A = arith.constant dense<0.000000e+00> : vector<1000x128xf32>
    %dot_general3A_20 = tpu.matmul %get3A_16, %get3A_19, %dot_general3A {dimension_numbers = #tpu.dot_dimension_numbers<[1], [0], [0], [1], [0, 0, 1, 1], [], []>, transpose_lhs_hint = false} : vector<1000x128xf32>, vector<128x128xf32>, vector<1000x128xf32> -> vector<1000x128xf32>
    %get3A_21 = arith.constant 0 : index
    %get3A_22 = arith.constant 0 : index
    %get3A_23 = vector.load %arg6[%get3A_21, %get3A_22] : memref<128x128xf32, #tpu.memory_space<vmem>>, vector<128x128xf32>
    %dot_general3A_24 = arith.constant dense<0.000000e+00> : vector<1000x128xf32>
    %dot_general3A_25 = tpu.matmul %add3A, %get3A_23, %dot_general3A_24 {dimension_numbers = #tpu.dot_dimension_numbers<[1], [0], [0], [1], [0, 0, 1, 1], [], []>, transpose_lhs_hint = false} : vector<1000x128xf32>, vector<128x128xf32>, vector<1000x128xf32> -> vector<1000x128xf32>
    %add3A_26 = arith.addf %dot_general3A_20, %dot_general3A_25 : vector<1000x128xf32>
    %get3A_27 = arith.constant 0 : index
    %get3A_28 = arith.constant 0 : index
    %get3A_29 = vector.load %arg7[%get3A_27, %get3A_28] : memref<128x128xf32, #tpu.memory_space<vmem>>, vector<128x128xf32>
    %dot_general3A_30 = arith.constant dense<0.000000e+00> : vector<1000x128xf32>
    %dot_general3A_31 = tpu.matmul %select_n3A, %get3A_29, %dot_general3A_30 {dimension_numbers = #tpu.dot_dimension_numbers<[1], [0], [0], [1], [0, 0, 1, 1], [], []>, transpose_lhs_hint = false} : vector<1000x128xf32>, vector<128x128xf32>, vector<1000x128xf32> -> vector<1000x128xf32>
    %add3A_32 = arith.addf %add3A_26, %dot_general3A_31 : vector<1000x128xf32>
    %get3A_33 = arith.constant 0 : index
    %get3A_34 = arith.constant 0 : index
    %get3A_35 = vector.load %arg8[%get3A_33, %get3A_34] : memref<1x128xf32, #tpu.memory_space<vmem>>, vector<1x128xf32>
    %add3A_36 = vector.broadcast %get3A_35 : vector<1x128xf32> to vector<1000x128xf32>
    %add3A_37 = arith.addf %add3A_32, %add3A_36 : vector<1000x128xf32>
    %get3A_38 = arith.constant 0 : index
    %get3A_39 = arith.constant 0 : index
    %get3A_40 = vector.load %arg9[%get3A_38, %get3A_39] : memref<128x128xf32, #tpu.memory_space<vmem>>, vector<128x128xf32>
    %dot_general3A_41 = arith.constant dense<0.000000e+00> : vector<1000x128xf32>
    %dot_general3A_42 = tpu.matmul %get3A_16, %get3A_40, %dot_general3A_41 {dimension_numbers = #tpu.dot_dimension_numbers<[1], [0], [0], [1], [0, 0, 1, 1], [], []>, transpose_lhs_hint = false} : vector<1000x128xf32>, vector<128x128xf32>, vector<1000x128xf32> -> vector<1000x128xf32>
    %get3A_43 = arith.constant 0 : index
    %get3A_44 = arith.constant 0 : index
    %get3A_45 = vector.load %arg10[%get3A_43, %get3A_44] : memref<128x128xf32, #tpu.memory_space<vmem>>, vector<128x128xf32>
    %dot_general3A_46 = arith.constant dense<0.000000e+00> : vector<1000x128xf32>
    %dot_general3A_47 = tpu.matmul %add3A_37, %get3A_45, %dot_general3A_46 {dimension_numbers = #tpu.dot_dimension_numbers<[1], [0], [0], [1], [0, 0, 1, 1], [], []>, transpose_lhs_hint = false} : vector<1000x128xf32>, vector<128x128xf32>, vector<1000x128xf32> -> vector<1000x128xf32>
    %add3A_48 = arith.addf %dot_general3A_42, %dot_general3A_47 : vector<1000x128xf32>
    %get3A_49 = arith.constant 0 : index
    %get3A_50 = arith.constant 0 : index
    %get3A_51 = vector.load %arg11[%get3A_49, %get3A_50] : memref<1x128xf32, #tpu.memory_space<vmem>>, vector<1x128xf32>
    %add3A_52 = vector.broadcast %get3A_51 : vector<1x128xf32> to vector<1000x128xf32>
    %add3A_53 = arith.addf %add3A_48, %add3A_52 : vector<1000x128xf32>
    %swap3A = arith.constant 0 : index
    %swap3A_54 = arith.constant 0 : index
    %swap3A_55 = vector.load %arg12[%swap3A, %swap3A_54] : memref<1000x128xf32, #tpu.memory_space<vmem>>, vector<1000x128xf32>
    tpu.vector_store %arg12[%swap3A, %swap3A_54], %add3A_53 {strides = array<i32>} : memref<1000x128xf32, #tpu.memory_space<vmem>>, vector<1000x128xf32>,
    return
  }
  func.func @transform_0(%arg0: i32) -> (i32, i32) {
    %c0_i32 = arith.constant 0 : i32
    %c0_i32_0 = arith.constant 0 : i32
    return %arg0, %c0_i32 : i32, i32
  }
  func.func @transform_1(%arg0: i32) -> (i32, i32, i32) {
    %c0_i32 = arith.constant 0 : i32
    %c0_i32_0 = arith.constant 0 : i32
    %c0_i32_1 = arith.constant 0 : i32
    return %c0_i32, %arg0, %c0_i32_0 : i32, i32, i32
  }
  func.func @transform_2(%arg0: i32) -> (i32, i32, i32) {
    %c1_i32 = arith.constant 1 : i32
    %c0_i32 = arith.constant 0 : i32
    %c0_i32_0 = arith.constant 0 : i32
    return %c1_i32, %arg0, %c0_i32 : i32, i32, i32
  }
  func.func @transform_3(%arg0: i32) -> (i32, i32) {
    %c0_i32 = arith.constant 0 : i32
    %c0_i32_0 = arith.constant 0 : i32
    return %arg0, %c0_i32 : i32, i32
  }
  func.func @transform_4(%arg0: i32) -> (i32, i32) {
    %c0_i32 = arith.constant 0 : i32
    %c0_i32_0 = arith.constant 0 : i32
    %c0_i32_1 = arith.constant 0 : i32
    return %c0_i32, %c0_i32_0 : i32, i32
  }
  func.func @transform_5(%arg0: i32) -> (i32, i32) {
    %c0_i32 = arith.constant 0 : i32
    %c0_i32_0 = arith.constant 0 : i32
    %c0_i32_1 = arith.constant 0 : i32
    return %c0_i32, %c0_i32_0 : i32, i32
  }
  func.func @transform_6(%arg0: i32) -> (i32, i32) {
    %c0_i32 = arith.constant 0 : i32
    %c0_i32_0 = arith.constant 0 : i32
    %c0_i32_1 = arith.constant 0 : i32
    return %c0_i32, %c0_i32_0 : i32, i32
  }
  func.func @transform_7(%arg0: i32) -> (i32, i32) {
    %c0_i32 = arith.constant 0 : i32
    %c0_i32_0 = arith.constant 0 : i32
    %c0_i32_1 = arith.constant 0 : i32
    return %c0_i32, %c0_i32_0 : i32, i32
  }
  func.func @transform_8(%arg0: i32) -> (i32, i32) {
    %c0_i32 = arith.constant 0 : i32
    %c0_i32_0 = arith.constant 0 : i32
    %c0_i32_1 = arith.constant 0 : i32
    return %c0_i32, %c0_i32_0 : i32, i32
  }
  func.func @transform_9(%arg0: i32) -> (i32, i32) {
    %c0_i32 = arith.constant 0 : i32
    %c0_i32_0 = arith.constant 0 : i32
    %c0_i32_1 = arith.constant 0 : i32
    return %c0_i32, %c0_i32_0 : i32, i32
  }
  func.func @transform_10(%arg0: i32) -> (i32, i32) {
    %c0_i32 = arith.constant 0 : i32
    %c0_i32_0 = arith.constant 0 : i32
    %c0_i32_1 = arith.constant 0 : i32
    return %c0_i32, %c0_i32_0 : i32, i32
  }
  func.func @transform_11(%arg0: i32) -> (i32, i32) {
    %c0_i32 = arith.constant 0 : i32
    %c0_i32_0 = arith.constant 0 : i32
    return %arg0, %c0_i32 : i32, i32
  }
}

</mosaic_0001>

<sc_bundles>
// kernel: kernel.11.cloned.1.call-start
scs
__scs_entry_jumppad:
0x0: {  	(pc) =	sbr.rel $0x88, $3  }
0x1: {  	(tag) =	ssettag $0x0;
	lr =	simm.s32 $0x1  }
0x2: {  	[smem:$0x3F88] =	sst lr;
	_ =	strace $0xD0000000  }
0x3: {  	_ = 	snop  }
0x4: {  	_ = 	snop  }
0x5: {  	_ = 	snop  }
0x6: {  	_ = 	snop  }
0x7: {  	_ = 	snop  }
__scs_overlays_trampoline_lowered:
0x8: {  	[smem:$0x3F97] =	sst s0  }
0x9: {  	[smem:$0x3F98] =	sst s1  }
0xa: {  	[smem:$0x3F99] =	sst s2  }
0xb: {  	[smem:$0x3F9A] =	sst s3  }
0xc: {  	[smem:$0x3F9B] =	sst s4  }
0xd: {  	[smem:$0x3F9C] =	sst s5  }
0xe: {  	[smem:$0x3F9D] =	sst s6  }
0xf: {  	[smem:$0x3F9E] =	sst s7  }
0x10: {  	[smem:$0x3F9F] =	sst s8  }
0x11: {  	[smem:$0x3FA0] =	sst s9;
	s0 =	simm.s32 @!p0 $0x0  }
0x12: {  	s1 =	sld [smem:$0x3F86];
	s0 =	simm.s32 @p0 $0x1  }
0x13: {  	[smem:$0x3FA1] =	sst s0;
	s0 =	simm.s32 @!p1 $0x0  }
0x14: {  	s2 =	sld [smem:$0x3F85];
	s0 =	simm.s32 @p1 $0x1  }
0x15: {  	[smem:$0x3FA2] =	sst s0;
	s0 =	simm.s32 @!p2 $0x0  }
0x16: {  	s3 =	sld [smem:$0x3FDB];
	s0 =	simm.s32 @p2 $0x1  }
0x17: {  	s4 =	simm.s32 $0x1BF5;
	[smem:$0x3FA4] =	sst s0  }
0x18: {  	s0 =	sld [smem:$0x3F87];
	_ =	swait.ge [sflag:s4], $0x0  }
0x19: {  	s7 =	sld [smem:$0x3F88]  }
0x1a: {  	s8 =	sadd.s32 $0xFFFFE003, lr  }
0x1b: {  	s9 =	sadd.s32 $0xFFFFFEF7, lr;
	s5 =	simm.s32 $0xFFFFFFFF;
	p2 =	slt.u32 s8, $0xFFFFF086  }
0x1c: {  	p1 =	slt.u32 s9, $0xF7A;
	s5 =	simm.s32 @!p2 $0x0  }
0x1d: {  	s5 =	simm.s32 @p1 $0x1;
	p0 =	seq.s32 s7, s2  }
0x1e: {  	s7 =	smul.u32 @!p0 $0xF7A, s2;
	p2 =	seq.s32 @!p0 s5, $0x0  }
0x1f: {  	s9 =	smul.u32 $0xF7A, s1;
	s8 =	simm.s32 @!p0 $0x1BF5;
	p2 =	por !p2, p0  }
0x20: {  	[sflag:s8] =	ssyncset.s32 @!p0 $0xFFFFF086;
	s6 =	sadd.s32 @!p0 s3, s7;
	s7 =	simm.s32 @!p0 $0x108  }
0x21: {  	s3 =	sadd.s32 s3, s9;
	s6 =	sadd.s32 @!p0 $0x88, s6;
	s7 =	simm.s32 @p2 $0x1082  }
0x22: {  	[simem:s7], [sflag:s8] =	dma.local @!p0 [hbm:s6], $0xF7A  }
0x23: {  	s9 =	sor.u32 $0xD0000000, s2;
	s6 =	simm.s32 $0x108;
	_ =	swait.ge @!p0 [sflag:s8], $0x0  }
0x24: {  	s3 =	sadd.s32 $0x88, s3;
	s6 =	simm.s32 @!p1 $0x1082;
	[sflag:s4] =	ssyncset.s32 $0xFFFFF086  }
0x25: {  	[simem:s6], [sflag:s4] =	dma.local [hbm:s3], $0xF7A  }
0x26: {  	[smem:$0x3F88] =	sst s1;
	(tag) =	ssettag s2;
	_ =	strace s9  }
0x27: {  	s1 =	sld [smem:$0x3F98]  }
0x28: {  	s2 =	sld [smem:$0x3F99]  }
0x29: {  	s4 =	sld [smem:$0x3F9B]  }
0x2a: {  	p0 =	seq.s32 s5, $0x0;
	s5 =	sld [smem:$0x3F9C]  }
0x2b: {  	s6 =	sld [smem:$0x3F9D]  }
0x2c: {  	s7 =	sld [smem:$0x3F9E]  }
0x2d: {  	s3 =	simm.s32 $0x108;
	s8 =	sld [smem:$0x3F9F]  }
0x2e: {  	s3 =	simm.s32 @!p0 $0x1082;
	s9 =	sld [smem:$0x3FA0]  }
0x2f: {  	lr =	sadd.s32 s0, s3;
	s0 =	sld [smem:$0x3F97]  }
0x30: {  	s3 =	sld [smem:$0x3F9A]  }
0x31: {  	[smem:$0x3FA3] =	sst s10  }
0x32: {  	s10 =	sld [smem:$0x3FA1];
	_ =	sdelay $0x3  }
0x33: {  	p0 =	seq.s32 s10, $0x1;
	s10 =	sld [smem:$0x3FA3];
	_ =	sdelay $0x3  }
0x34: {  	[smem:$0x3FA3] =	sst s10  }
0x35: {  	s10 =	sld [smem:$0x3FA2];
	_ =	sdelay $0x3  }
0x36: {  	p1 =	seq.s32 s10, $0x1;
	s10 =	sld [smem:$0x3FA3];
	_ =	sdelay $0x3  }
0x37: {  	[smem:$0x3FA3] =	sst s10  }
0x38: {  	s10 =	sld [smem:$0x3FA4]  }
0x39: {  	_ = 	snop;
	(pc) =	sbr.ind lr, $3  }
0x3a: {  	_ = 	snop  }
0x3b: {  	_ = 	snop  }
0x3c: {  	p2 =	seq.s32 s10, $0x1;
	s10 =	sld [smem:$0x3FA3]  }
0x3d: {  	_ =	shalt  }
0x3e: {  	_ =	shalt  }
0x3f: {  	_ =	shalt  }
0x40: {  	_ =	shalt  }
0x41: {  	_ =	shalt  }
0x42: {  	_ =	shalt  }
0x43: {  	_ =	shalt  }
0x44: {  	_ =	shalt  }
0x45: {  	_ =	shalt  }
0x46: {  	_ =	shalt  }
0x47: {  	_ =	shalt  }
0x48: {  	_ =	shalt  }
0x49: {  	_ =	shalt  }
0x4a: {  	_ =	shalt  }
0x4b: {  	_ =	shalt  }
0x4c: {  	_ =	shalt  }
0x4d: {  	_ =	shalt  }
0x4e: {  	_ =	shalt  }
0x4f: {  	_ =	shalt  }
0x50: {  	_ =	shalt  }
0x51: {  	_ =	shalt  }
0x52: {  	_ =	shalt  }
0x53: {  	_ =	shalt  }
0x54: {  	_ =	shalt  }
0x55: {  	_ =	shalt  }
0x56: {  	_ =	shalt  }
0x57: {  	_ =	shalt  }
0x58: {  	_ =	shalt  }
0x59: {  	_ =	shalt  }
0x5a: {  	_ =	shalt  }
0x5b: {  	_ =	shalt  }
0x5c: {  	_ =	shalt  }
0x5d: {  	_ =	shalt  }
0x5e: {  	_ =	shalt  }
0x5f: {  	_ =	shalt  }
0x60: {  	_ =	shalt  }
0x61: {  	_ =	shalt  }
0x62: {  	_ =	shalt  }
0x63: {  	_ =	shalt  }
0x64: {  	_ =	shalt  }
0x65: {  	_ =	shalt  }
0x66: {  	_ =	shalt  }
0x67: {  	_ =	shalt  }
0x68: {  	_ =	shalt  }
0x69: {  	_ =	shalt  }
0x6a: {  	_ =	shalt  }
0x6b: {  	_ =	shalt  }
0x6c: {  	_ =	shalt  }
0x6d: {  	_ =	shalt  }
0x6e: {  	_ =	shalt  }
0x6f: {  	_ =	shalt  }
0x70: {  	_ =	shalt  }
0x71: {  	_ =	shalt  }
0x72: {  	_ =	shalt  }
0x73: {  	_ =	shalt  }
0x74: {  	_ =	shalt  }
0x75: {  	_ =	shalt  }
0x76: {  	_ =	shalt  }
0x77: {  	_ =	shalt  }
0x78: {  	_ =	shalt  }
0x79: {  	_ =	shalt  }
0x7a: {  	_ =	shalt  }
0x7b: {  	_ =	shalt  }
0x7c: {  	_ =	shalt  }
0x7d: {  	_ =	shalt  }
0x7e: {  	_ =	shalt  }
0x7f: {  	_ =	shalt  }
0x80: {  	_ =	shalt  }
0x81: {  	_ =	shalt  }
0x82: {  	_ =	shalt  }
0x83: {  	_ =	shalt  }
0x84: {  	_ =	shalt  }
0x85: {  	_ =	shalt  }
0x86: {  	_ =	shalt  }
0x87: {  	_ =	shalt  }
.Lfunc_end0:
.L_simem_size_0:
called_computation.1_lowered:
.L_overlay_start_0:
0x88: {  	s2 =	sld [smem:$0x3FD9]  }
0x89: {  	s3 =	sld [smem:$0x3FFE];
	_ =	sdelay $0x1  }
0x8a: {  	s1 =	srdreg.scid  }
0x8b: {  	s0 =	sand.u32 $0x1, s1  }
0x8c: {  	s17 =	sshll.u32 s0, $0xA;
	s2 =	sadd.s32 s3, s2  }
0x8d: {  	s2 =	sadd.s32 s2, s17  }
0x8e: {  	[smem:$0x3FAF] =	sst s2  }
0x8f: {  	_ = 	snop  }
0x90: {  	(tm) =	ssettm $0x1  }
0x91: {  	s18 =	sld [smem:$0x3FFB];
	_ =	sdelay $0x3  }
0x92: {  	_ =	strace s18  }
0x93: {  	s2 =	sld [smem:$0x3FFC];
	_ =	sdelay $0x3  }
0x94: {  	_ =	strace s2  }
0x95: {  	s2 =	sld [smem:$0x3FFD];
	_ =	sdelay $0x3  }
0x96: {  	_ =	strace s2  }
0x97: {  	_ =	strace $0x8FFFFFFF  }
0x98: {  	s19 =	sld [smem:$0x3FDB];
	_ =	sdelay $0x1  }
0x99: {  	s20 =	simm.s32 $_scs_section_size  }
0x9a: {  	s4 =	simm.s32 $_size__tile_overlayer_lowered;
	s5 =	simm.s32 $_tile_overlayer_lowered  }
0x9b: {  	s6 =	simm.s32 $0x1BFF;
	s21 =	sshll.u32 s5, $0x1;
	s3 =	sadd.s32 s20, s19  }
0x9c: {  	s22 =	simm.s32 $0x0;
	s4 =	sshll.u32 s4, $0x1;
	s5 =	sadd.s32 s21, s3  }
0x9d: {  	[timem:s22], [sflag:s6] =	dma.local [hbm:s5], s4  }
0x9e: {  	_ =	swait.ge [sflag:s6], s4  }
0x9f: {  	s4 =	ssub.s32 $0x0, s4;
	[sflag:s6] =	ssyncset.done $0x0  }
0xa0: {  	[sflag:s6] =	ssyncadd.s32 s4;
	_ =	sdelay $0x1  }
0xa1: {  	s23 =	simm.s32 $0x1B8B  }
0xa2: {  	_ =	swait.ge [sflag:s23], $0x1  }
0xa3: {  	[sflag:s23] =	ssyncset.done $0x0  }
0xa4: {  	[sflag:s23] =	ssyncadd.s32 $0xFFFFFFFF  }
0xa5: {  	s4 =	sld [smem:$0x0]  }
0xa6: {  	s5 =	sand.u32 $0xFFFFFFFE, s1  }
0xa7: {  	p0 =	sne.s32 s1, s5  }
0xa8: {  	s5 =	sshll.u32 @p0 s5, $0xE  }
0xa9: {  	s5 =	sadd.s32 @p0 $0x11B8D, s5;
	s6 =	sshll.u32 @p0 s4, $0x11  }
0xaa: {  	s5 =	sor.u32 @p0 s6, s5  }
0xab: {  	[sflag:s5] =	ssyncadd.remote.s32 @p0 $0x1;
	_ =	sdelay $0x1  }
0xac: {  	s5 =	simm.s32 @p0 $0x1B8D  }
0xad: {  	_ =	swait.eq @p0 [sflag:s5], $0x1  }
0xae: {  	[sflag:s5] =	ssyncadd.s32 @p0 $0xFFFFFFFF  }
0xaf: {  	s6 =	sshll.u32 @!p0 s1, $0xE  }
0xb0: {  	s6 =	sor.u32 @!p0 $0x4000, s6;
	s5 =	simm.s32 @!p0 $0x1B8D  }
0xb1: {  	s4 =	sshll.u32 @!p0 s4, $0x11;
	s6 =	sadd.s32 @!p0 $0x11B8D, s6;
	_ =	swait.eq @!p0 [sflag:s5], $0x1  }
0xb2: {  	s4 =	sor.u32 @!p0 s4, s6;
	[sflag:s5] =	ssyncadd.s32 @!p0 $0xFFFFFFFF  }
0xb3: {  	s25 =	simm.s32 $0x1B8E;
	s24 =	sld [smem:$0x3FFE];
	[sflag:s4] =	ssyncadd.remote.s32 @!p0 $0x1  }
0xb4: {  	s26 =	simm.s32 $execute0_lowered;
	[smem:$0x3FD2] =	sst s25  }
0xb5: {  	s5 =	sshll.u32 s26, $0x1;
	_ =	strace $0x8000004C;
	[dreg:$0x1] =	wrdreg $0xFFFFFFFF  }
0xb6: {  	s28 =	simm.s32 $_size_execute0_lowered;
	s3 =	sadd.s32 s3, s5;
	[dreg:$0x0] =	wrdreg $0x0  }
0xb7: {  	s5 =	sshll.u32 s28, $0x1;
	[dreg:$0x2] =	wrdreg s3  }
0xb8: {  	[dreg:$0x3] =	wrdreg s5  }
0xb9: {  	[dreg:$0x4] =	wrdreg $0xC0  }
0xba: {  	_ =	task [dreg:s22], $0x5FFFF  }
0xbb: {  	[dreg:$0x1] =	wrdreg $0xFFFFFFFF  }
0xbc: {  	[dreg:$0x0] =	wrdreg $0x60  }
0xbd: {  	[dreg:$0x2] =	wrdreg s24  }
0xbe: {  	[dreg:$0x3] =	wrdreg $0x0  }
0xbf: {  	[dreg:$0x4] =	wrdreg $0x9  }
0xc0: {  	_ =	task.clear_ibuf [dreg:s22], $0x5FFFF;
	_ =	strace $0x9000004C  }
0xc1: {  	s29 =	simm.s32 $0x9;
	_ =	strace $0x8000004E  }
0xc2: {  	_ =	swait.ge [sflag:s29], $0x1  }
0xc3: {  	[sflag:s29] =	ssyncadd.s32 $0xFFFFFFFF  }
0xc4: {  	_ =	strace $0x9000004E  }
0xc5: {  	_ =	sfence  }
0xc6: {  	s30 =	sld [smem:$0x0];
	_ =	sdelay $0x2  }
0xc7: {  	s31 =	sshll.u32 s1, $0xD;
	s1 =	sshrl.u32 s1, $0x2  }
0xc8: {  	s4 =	sand.u32 $0x4000, s31;
	s1 =	sadd.s32 s1, s30  }
0xc9: {  	s0 =	sor.u32 s4, s0;
	s1 =	sshll.u32 s1, $0x11  }
0xca: {  	s0 =	sor.u32 s1, s0  }
0xcb: {  	s0 =	sadd.s32 $0x8F2B, s0  }
0xcc: {  	[sflag:s0] =	ssyncadd.remote.s32 $0x1  }
0xcd: {  	_ =	sfence.sel $0xFFFF  }
0xce: {  	[dreg:$0x0] =	wrdreg $0xFFFFFFFF;
	(pc) =	sbr.abs _section_cstart, $3  }
0xcf: {  	[dreg:$0x1] =	wrdreg $0xFFFFFFFF  }
0xd0: {  	_ =	task.clear_ibuf [dreg:s22], $0x2FFFF;
	_ =	strace $0x9FFFFFFF  }
0xd1: {  	(tm) =	ssettm $0x7FFFFFFF  }
tec
execute0_lowered:
.L_overlay_start_1:
0x0: {  	(tag) =	ssettag $0x1  }
0x1: {  	s1 =	srdreg.scid;
	s4 =	rddreg [dreg:$0x0]  }
0x2: {  	s0 =	stileid.u32;
	s2 =	rddreg [dreg:$0x1]  }
0x3: {  	s3 =	simm.s32 $0x0;
	s14 =	simm.s32 $0x1;
	s6 =	smul.u32 $0x4E20, s0  }
0x4: {  	s15 =	simm.s32 $0x14000;
	s16 =	simm.s32 $0x14100;
	s24 =	smul.u32 $0x14000, s0  }
0x5: {  	s17 =	simm.s32 $0xC8;
	s20 =	simm.s32 $0x0;
	s9 =	smul.u32 $0x4E200, s0  }
0x6: {  	s5 =	sand.u32 $0x1, s1;
	s1 =	rddreg [dreg:$0x2];
	s26 =	smul.u32 $0x50000, s0  }
0x7: {  	[smem:$0x7FF] =	sst s3;
	s18 =	sshll.u32 s0, $0x6;
	s7 =	smul.u32 $0x2710, s5  }
0x8: {  	s8 =	smul.u32 $0x140000, s5;
	_ =	strace $0x8000004D;
	s28 =	ssub.s32 $0x2, s5  }
0x9: {  	s13 =	smul.u32 $0x27100, s5;
	s18 =	sor.u32 $0x1C01, s18;
	s10 =	sadd.s32 s9, s4  }
0xa: {  	s30 =	sshrl.u32 s28, $0x1;
	s31 =	sshrl.u32 s26, $0x2;
	s6 =	sadd.s32 s7, s6  }
0xb: {  	s25 =	sadd.s32 s24, s8;
	s11 =	ssub.s32 s28, s30;
	s13 =	sadd.s32 s13, s10  }
0xc: {  	s6 =	sshrl.u32 s6, $0x3;
	s10 =	smax.u32 s11, $0x1;
	s11 =	sadd.s32 $0xEE5000, s13  }
0xd: {  	s13 =	simm.s32 $0x1A500;
	s12 =	sadd.s32 s6, s4;
	s6 =	sshrl.u32 s25, $0x3  }
0xe: {  	s29 =	sadd.s32 s6, s4;
	s4 =	sadd.s32 s31, s2;
	s12 =	sadd.s32 $0xE000, s12  }
0xf: {  	s5 =	sadd.s32 $0x4000, s4;
	s6 =	sadd.s32 $0x8000, s4;
	s7 =	sadd.s32 $0xC000, s4  }
0x10: {  	v0 =	vimm.f32 $0.0e+00;
	s8 =	sadd.s32 $0x10000, s4;
	s9 =	sadd.s32 $0x3F000, s29;
	s19 =	sshrl.u32 s4, $0x3  }
.LBB2_1:
0x11: {  	s21 =	simm.s32 $0x0;
	s22 =	simm.s32 $0x200  }
.LBB2_2:
0x12: {  	p0 =	sne.s32 s22, $0xFE00;
	[tilespmem:s21+$0x1A570] =	vst v0  }
0x13: {  	[tilespmem:s21+$0x1A500] =	vst v0  }
0x14: {  	[tilespmem:s21+$0x1A510] =	vst v0  }
.Ltmp0:
0x15: {  	[tilespmem:s21+$0x1A520] =	vst v0;
	(pc) =	sbr.rel @p0 .LBB2_2-.Ltmp0, $4  }
0x16: {  	[tilespmem:s21+$0x1A530] =	vst v0  }
0x17: {  	[tilespmem:s21+$0x1A540] =	vst v0  }
0x18: {  	[tilespmem:s21+$0x1A550] =	vst v0  }
0x19: {  	[tilespmem:s21+$0x1A560] =	vst v0;
	s21 =	sshra.s32 s22, $0x2;
	s22 =	sadd.s32 $0x200, s22  }
0x1a: {  	[tilespmem:s21+$0x1A570] =	vst v0  }
0x1b: {  	[tilespmem:s21+$0x1A500] =	vst v0  }
0x1c: {  	[tilespmem:s21+$0x1A510] =	vst v0  }
0x1d: {  	[tilespmem:s21+$0x1A520] =	vst v0  }
0x1e: {  	[tilespmem:s21+$0x1A530] =	vst v0  }
0x1f: {  	[tilespmem:s21+$0x1A540] =	vst v0  }
0x20: {  	[tilespmem:s21+$0x1A550] =	vst v0  }
0x21: {  	[tilespmem:s21+$0x1A560] =	vst v0  }
0x22: {  	[spmem:s4] =	stream.linear.scatter [tilespmem:s13], [sflag:$0x1], $0x4000, $0x38;
	[tilespmem:$0x1E500] =	vst v63  }
0x23: {  	_ =	swait.ge [sflag:s14], $0x4000  }
0x24: {  	[sflag:s14] =	ssyncset.done $0x0  }
0x25: {  	[sflag:s14] =	ssyncadd.s32 $0xFFFFC000  }
0x26: {  	[spmem:s5] =	stream.linear.scatter [tilespmem:s13], [sflag:$0x1], $0x4000, $0x38;
	[tilespmem:$0x1E500] =	vst v63  }
0x27: {  	_ =	swait.ge [sflag:s14], $0x4000  }
0x28: {  	[sflag:s14] =	ssyncset.done $0x0  }
0x29: {  	[sflag:s14] =	ssyncadd.s32 $0xFFFFC000  }
0x2a: {  	[spmem:s6] =	stream.linear.scatter [tilespmem:s13], [sflag:$0x1], $0x4000, $0x38;
	[tilespmem:$0x1E500] =	vst v63  }
0x2b: {  	_ =	swait.ge [sflag:s14], $0x4000  }
0x2c: {  	[sflag:s14] =	ssyncset.done $0x0  }
0x2d: {  	[sflag:s14] =	ssyncadd.s32 $0xFFFFC000  }
0x2e: {  	[spmem:s7] =	stream.linear.scatter [tilespmem:s13], [sflag:$0x1], $0x4000, $0x38;
	[tilespmem:$0x1E500] =	vst v63  }
0x2f: {  	_ =	swait.ge [sflag:s14], $0x4000  }
0x30: {  	[sflag:s14] =	ssyncset.done $0x0  }
0x31: {  	[sflag:s14] =	ssyncadd.s32 $0xFFFFC000  }
0x32: {  	[spmem:s8] =	stream.linear.scatter [tilespmem:s13], [sflag:$0x1], $0x4000, $0x38;
	[tilespmem:$0x1E500] =	vst v63  }
0x33: {  	_ =	swait.ge [sflag:s14], $0x4000  }
0x34: {  	[sflag:s14] =	ssyncset.done $0x0  }
0x35: {  	[sflag:s14] =	ssyncadd.s32 $0xFFFFC000  }
0x36: {  	s31 =	sadd.s32 $0x0, s12;
	[bflag:$0x0] =	sbarrier.arrive $0xFFFF  }
0x37: {  	[tilespmem:s15], [sflag:$0x1] =	stream.linear.gather [hbm4b:s31+s3], $0xC8, $0x38;
	[tilespmem:$0x1E500] =	vst v63  }
0x38: {  	_ =	swait.ge [sflag:s14], $0xC8  }
0x39: {  	[sflag:s14] =	ssyncset.done $0x0  }
0x3a: {  	[sflag:s14] =	ssyncadd.s32 $0xFFFFFF38  }
0x3b: {  	[tilespmem:s16], [sflag:$0x1] =	stream.linear.gather [hbm4b:s11+s3], $0x6400, $0x38;
	[tilespmem:$0x1E500] =	vst v63  }
0x3c: {  	_ =	swait.ge [sflag:s14], $0x6400  }
0x3d: {  	[sflag:s14] =	ssyncset.done $0x0  }
0x3e: {  	[sflag:s14] =	ssyncadd.s32 $0xFFFF9C00  }
0x3f: {  	[spmem:s2] =	stream.indirect.scatter.add.f32 [tilespmem:s16], [sflag:$0x1], $0x80, s15, s17, $0xb8;
	[tilespmem:$0x1E500] =	vst v63  }
0x40: {  	s22 =	simm.s32 $0x19;
	_ =	swait.ge [sflag:s14], $0x6400  }
0x41: {  	s23 =	simm.s32 $0x32;
	s21 =	sadd.s32 $0xC80, s11;
	[sflag:s14] =	ssyncset.done $0x0  }
.LBB2_4:
0x42: {  	s24 =	sadd.s32 s22, s12  }
0x43: {  	[sflag:s14] =	ssyncadd.s32 $0xFFFF9C00;
	s22 =	smov.u32 s23;
	s25 =	sadd.s32 $0x19, s23  }
0x44: {  	[tilespmem:s15], [sflag:$0x1] =	stream.linear.gather [hbm4b:s24+s3], $0xC8, $0x38;
	[tilespmem:$0x1E500] =	vst v63  }
0x45: {  	p0 =	sne.s32 s23, $0x4C9;
	_ =	swait.ge [sflag:s14], $0xC8  }
0x46: {  	[sflag:s14] =	ssyncset.done $0x0  }
0x47: {  	[sflag:s14] =	ssyncadd.s32 $0xFFFFFF38  }
0x48: {  	[tilespmem:s16], [sflag:$0x1] =	stream.linear.gather [hbm4b:s21+s3], $0x6400, $0x38;
	[tilespmem:$0x1E500] =	vst v63  }
0x49: {  	_ =	swait.ge [sflag:s14], $0x6400  }
.Ltmp1:
0x4a: {  	[sflag:s14] =	ssyncset.done $0x0;
	(pc) =	sbr.rel @p0 .LBB2_4-.Ltmp1, $4  }
0x4b: {  	[sflag:s14] =	ssyncadd.s32 $0xFFFF9C00  }
0x4c: {  	[spmem:s2] =	stream.indirect.scatter.add.f32 [tilespmem:s16], [sflag:$0x1], $0x80, s15, s17, $0xb8;
	[tilespmem:$0x1E500] =	vst v63  }
0x4d: {  	_ =	swait.ge [sflag:s14], $0x6400  }
0x4e: {  	s23 =	smov.u32 s25;
	s21 =	sadd.s32 $0xC80, s21;
	[sflag:s14] =	ssyncset.done $0x0  }
0x4f: {  	s22 =	sadd.s32 s22, s12;
	[sflag:s14] =	ssyncadd.s32 $0xFFFF9C00  }
0x50: {  	[tilespmem:s15], [sflag:$0x1] =	stream.linear.gather [hbm4b:s22+s3], $0xC8, $0x38;
	[tilespmem:$0x1E500] =	vst v63  }
0x51: {  	_ =	swait.ge [sflag:s14], $0xC8  }
0x52: {  	[sflag:s14] =	ssyncset.done $0x0  }
0x53: {  	[sflag:s14] =	ssyncadd.s32 $0xFFFFFF38  }
0x54: {  	[tilespmem:s16], [sflag:$0x1] =	stream.linear.gather [hbm4b:s21+s3], $0x6400, $0x38;
	[tilespmem:$0x1E500] =	vst v63  }
0x55: {  	_ =	swait.ge [sflag:s14], $0x6400  }
0x56: {  	[sflag:s14] =	ssyncset.done $0x0  }
0x57: {  	[sflag:s14] =	ssyncadd.s32 $0xFFFF9C00  }
0x58: {  	[spmem:s2] =	stream.indirect.scatter.add.f32 [tilespmem:s16], [sflag:$0x1], $0x80, s15, s17, $0xb8;
	[tilespmem:$0x1E500] =	vst v63  }
0x59: {  	_ =	swait.ge [sflag:s14], $0x6400  }
0x5a: {  	s20 =	sadd.s32 $0x1, s20;
	[sflag:s14] =	ssyncset.done $0x0  }
0x5b: {  	p0 =	sne.s32 s20, s10;
	[sflag:s14] =	ssyncadd.s32 $0xFFFF9C00  }
.Ltmp2:
0x5c: {  	[bflag:$0x0] =	sbarrier.arrive $0xFFFF;
	(pc) =	sbr.rel @p0 .LBB2_1-.Ltmp2, $4  }
0x5d: {  	[hbm:s9], [sflag:s18] =	dma.local [spmem:s19], $0x2800  }
0x5e: {  	_ =	swait.ge [sflag:s14], $0x2800  }
0x5f: {  	[sflag:s14] =	ssyncset.done $0x0  }
0x60: {  	[sflag:s14] =	ssyncadd.s32 $0xFFFFD800  }
0x61: {  	_ =	sfence.sel $0x180000  }
0x62: {  	[bflag:$0x0] =	sbarrier.arrive $0xFFFF  }
0x63: {  	p0 =	sne.s32 s0, $0x0;
	_ =	strace $0x9000004D  }
0x64: {  	s0 =	sadd.s32 @!p0 $0x100000, s1;
	[bflag:$0x2] =	sbarrier.arrive $0xFFFF  }
0x65: {  	[sflag:s0] =	ssyncadd.tile.s32 @!p0 $0x1;
	_ =	shalt  }
.Lfunc_end2:
_tile_overlayer_lowered:
.L_overlay_start_2:
0x66: {  	(tag) =	ssettag $0x2  }
0x67: {  	s0 =	rddreg [dreg:$0x0];
	s2 =	stileid.u32  }
0x68: {  	s1 =	rddreg [dreg:$0x1];
	p0 =	sne.s32 s2, $0x0  }
0x69: {  	s3 =	rddreg [dreg:$0x2];
	[bflag:$0x3] =	sbarrier.arrive $0xFFFF;
	s2 =	simm.s32 @!p0 $0x1C01  }
0x6a: {  	[timem:s3], [sflag:s2] =	dma.local @!p0 [hbm:s0], s1  }
0x6b: {  	s0 =	simm.s32 @!p0 $0x1  }
0x6c: {  	_ =	swait.ge @!p0 [sflag:s0], s1  }
0x6d: {  	s1 =	ssub.s32 @!p0 $0x0, s1;
	[sflag:s0] =	ssyncset.done @!p0 $0x0  }
0x6e: {  	[sflag:s0] =	ssyncadd.s32 @!p0 s1  }
0x6f: {  	[bflag:$0x3] =	sbarrier.arrive $0xFFFF  }
0x70: {  	_ =	shalt  }

// kernel: kernel.14.cloned.1.call-start
scs
__scs_entry_jumppad:
0x0: {  	(pc) =	sbr.rel $0x88, $3  }
0x1: {  	(tag) =	ssettag $0x0;
	lr =	simm.s32 $0x1  }
0x2: {  	[smem:$0x3F88] =	sst lr;
	_ =	strace $0xD0000000  }
0x3: {  	_ = 	snop  }
0x4: {  	_ = 	snop  }
0x5: {  	_ = 	snop  }
0x6: {  	_ = 	snop  }
0x7: {  	_ = 	snop  }
__scs_overlays_trampoline_lowered:
0x8: {  	[smem:$0x3F97] =	sst s0  }
0x9: {  	[smem:$0x3F98] =	sst s1  }
0xa: {  	[smem:$0x3F99] =	sst s2  }
0xb: {  	[smem:$0x3F9A] =	sst s3  }
0xc: {  	[smem:$0x3F9B] =	sst s4  }
0xd: {  	[smem:$0x3F9C] =	sst s5  }
0xe: {  	[smem:$0x3F9D] =	sst s6  }
0xf: {  	[smem:$0x3F9E] =	sst s7  }
0x10: {  	[smem:$0x3F9F] =	sst s8  }
0x11: {  	[smem:$0x3FA0] =	sst s9;
	s0 =	simm.s32 @!p0 $0x0  }
0x12: {  	s1 =	sld [smem:$0x3F86];
	s0 =	simm.s32 @p0 $0x1  }
0x13: {  	[smem:$0x3FA1] =	sst s0;
	s0 =	simm.s32 @!p1 $0x0  }
0x14: {  	s2 =	sld [smem:$0x3F85];
	s0 =	simm.s32 @p1 $0x1  }
0x15: {  	[smem:$0x3FA2] =	sst s0;
	s0 =	simm.s32 @!p2 $0x0  }
0x16: {  	s3 =	sld [smem:$0x3FDB];
	s0 =	simm.s32 @p2 $0x1  }
0x17: {  	s4 =	simm.s32 $0x1BF5;
	[smem:$0x3FA4] =	sst s0  }
0x18: {  	s0 =	sld [smem:$0x3F87];
	_ =	swait.ge [sflag:s4], $0x0  }
0x19: {  	s7 =	sld [smem:$0x3F88]  }
0x1a: {  	s8 =	sadd.s32 $0xFFFFE003, lr  }
0x1b: {  	s9 =	sadd.s32 $0xFFFFFEF7, lr;
	s5 =	simm.s32 $0xFFFFFFFF;
	p2 =	slt.u32 s8, $0xFFFFF086  }
0x1c: {  	p1 =	slt.u32 s9, $0xF7A;
	s5 =	simm.s32 @!p2 $0x0  }
0x1d: {  	s5 =	simm.s32 @p1 $0x1;
	p0 =	seq.s32 s7, s2  }
0x1e: {  	s7 =	smul.u32 @!p0 $0xF7A, s2;
	p2 =	seq.s32 @!p0 s5, $0x0  }
0x1f: {  	s9 =	smul.u32 $0xF7A, s1;
	s8 =	simm.s32 @!p0 $0x1BF5;
	p2 =	por !p2, p0  }
0x20: {  	[sflag:s8] =	ssyncset.s32 @!p0 $0xFFFFF086;
	s6 =	sadd.s32 @!p0 s3, s7;
	s7 =	simm.s32 @!p0 $0x108  }
0x21: {  	s3 =	sadd.s32 s3, s9;
	s6 =	sadd.s32 @!p0 $0x88, s6;
	s7 =	simm.s32 @p2 $0x1082  }
0x22: {  	[simem:s7], [sflag:s8] =	dma.local @!p0 [hbm:s6], $0xF7A  }
0x23: {  	s9 =	sor.u32 $0xD0000000, s2;
	s6 =	simm.s32 $0x108;
	_ =	swait.ge @!p0 [sflag:s8], $0x0  }
0x24: {  	s3 =	sadd.s32 $0x88, s3;
	s6 =	simm.s32 @!p1 $0x1082;
	[sflag:s4] =	ssyncset.s32 $0xFFFFF086  }
0x25: {  	[simem:s6], [sflag:s4] =	dma.local [hbm:s3], $0xF7A  }
0x26: {  	[smem:$0x3F88] =	sst s1;
	(tag) =	ssettag s2;
	_ =	strace s9  }
0x27: {  	s1 =	sld [smem:$0x3F98]  }
0x28: {  	s2 =	sld [smem:$0x3F99]  }
0x29: {  	s4 =	sld [smem:$0x3F9B]  }
0x2a: {  	p0 =	seq.s32 s5, $0x0;
	s5 =	sld [smem:$0x3F9C]  }
0x2b: {  	s6 =	sld [smem:$0x3F9D]  }
0x2c: {  	s7 =	sld [smem:$0x3F9E]  }
0x2d: {  	s3 =	simm.s32 $0x108;
	s8 =	sld [smem:$0x3F9F]  }
0x2e: {  	s3 =	simm.s32 @!p0 $0x1082;
	s9 =	sld [smem:$0x3FA0]  }
0x2f: {  	lr =	sadd.s32 s0, s3;
	s0 =	sld [smem:$0x3F97]  }
0x30: {  	s3 =	sld [smem:$0x3F9A]  }
0x31: {  	[smem:$0x3FA3] =	sst s10  }
0x32: {  	s10 =	sld [smem:$0x3FA1];
	_ =	sdelay $0x3  }
0x33: {  	p0 =	seq.s32 s10, $0x1;
	s10 =	sld [smem:$0x3FA3];
	_ =	sdelay $0x3  }
0x34: {  	[smem:$0x3FA3] =	sst s10  }
0x35: {  	s10 =	sld [smem:$0x3FA2];
	_ =	sdelay $0x3  }
0x36: {  	p1 =	seq.s32 s10, $0x1;
	s10 =	sld [smem:$0x3FA3];
	_ =	sdelay $0x3  }
0x37: {  	[smem:$0x3FA3] =	sst s10  }
0x38: {  	s10 =	sld [smem:$0x3FA4]  }
0x39: {  	_ = 	snop;
	(pc) =	sbr.ind lr, $3  }
0x3a: {  	_ = 	snop  }
0x3b: {  	_ = 	snop  }
0x3c: {  	p2 =	seq.s32 s10, $0x1;
	s10 =	sld [smem:$0x3FA3]  }
0x3d: {  	_ =	shalt  }
0x3e: {  	_ =	shalt  }
0x3f: {  	_ =	shalt  }
0x40: {  	_ =	shalt  }
0x41: {  	_ =	shalt  }
0x42: {  	_ =	shalt  }
0x43: {  	_ =	shalt  }
0x44: {  	_ =	shalt  }
0x45: {  	_ =	shalt  }
0x46: {  	_ =	shalt  }
0x47: {  	_ =	shalt  }
0x48: {  	_ =	shalt  }
0x49: {  	_ =	shalt  }
0x4a: {  	_ =	shalt  }
0x4b: {  	_ =	shalt  }
0x4c: {  	_ =	shalt  }
0x4d: {  	_ =	shalt  }
0x4e: {  	_ =	shalt  }
0x4f: {  	_ =	shalt  }
0x50: {  	_ =	shalt  }
0x51: {  	_ =	shalt  }
0x52: {  	_ =	shalt  }
0x53: {  	_ =	shalt  }
0x54: {  	_ =	shalt  }
0x55: {  	_ =	shalt  }
0x56: {  	_ =	shalt  }
0x57: {  	_ =	shalt  }
0x58: {  	_ =	shalt  }
0x59: {  	_ =	shalt  }
0x5a: {  	_ =	shalt  }
0x5b: {  	_ =	shalt  }
0x5c: {  	_ =	shalt  }
0x5d: {  	_ =	shalt  }
0x5e: {  	_ =	shalt  }
0x5f: {  	_ =	shalt  }
0x60: {  	_ =	shalt  }
0x61: {  	_ =	shalt  }
0x62: {  	_ =	shalt  }
0x63: {  	_ =	shalt  }
0x64: {  	_ =	shalt  }
0x65: {  	_ =	shalt  }
0x66: {  	_ =	shalt  }
0x67: {  	_ =	shalt  }
0x68: {  	_ =	shalt  }
0x69: {  	_ =	shalt  }
0x6a: {  	_ =	shalt  }
0x6b: {  	_ =	shalt  }
0x6c: {  	_ =	shalt  }
0x6d: {  	_ =	shalt  }
0x6e: {  	_ =	shalt  }
0x6f: {  	_ =	shalt  }
0x70: {  	_ =	shalt  }
0x71: {  	_ =	shalt  }
0x72: {  	_ =	shalt  }
0x73: {  	_ =	shalt  }
0x74: {  	_ =	shalt  }
0x75: {  	_ =	shalt  }
0x76: {  	_ =	shalt  }
0x77: {  	_ =	shalt  }
0x78: {  	_ =	shalt  }
0x79: {  	_ =	shalt  }
0x7a: {  	_ =	shalt  }
0x7b: {  	_ =	shalt  }
0x7c: {  	_ =	shalt  }
0x7d: {  	_ =	shalt  }
0x7e: {  	_ =	shalt  }
0x7f: {  	_ =	shalt  }
0x80: {  	_ =	shalt  }
0x81: {  	_ =	shalt  }
0x82: {  	_ =	shalt  }
0x83: {  	_ =	shalt  }
0x84: {  	_ =	shalt  }
0x85: {  	_ =	shalt  }
0x86: {  	_ =	shalt  }
0x87: {  	_ =	shalt  }
.Lfunc_end0:
.L_simem_size_0:
called_computation.2_lowered:
.L_overlay_start_0:
0x88: {  	s2 =	sld [smem:$0x3FD9]  }
0x89: {  	s3 =	sld [smem:$0x3FFE];
	_ =	sdelay $0x1  }
0x8a: {  	s1 =	srdreg.scid  }
0x8b: {  	s0 =	sand.u32 $0x1, s1  }
0x8c: {  	s16 =	sshll.u32 s0, $0xA;
	s2 =	sadd.s32 s3, s2  }
0x8d: {  	s2 =	sadd.s32 s2, s16  }
0x8e: {  	[smem:$0x3FAF] =	sst s2  }
0x8f: {  	_ = 	snop  }
0x90: {  	(tm) =	ssettm $0x1  }
0x91: {  	s17 =	sld [smem:$0x3FFB];
	_ =	sdelay $0x3  }
0x92: {  	_ =	strace s17  }
0x93: {  	s2 =	sld [smem:$0x3FFC];
	_ =	sdelay $0x3  }
0x94: {  	_ =	strace s2  }
0x95: {  	s2 =	sld [smem:$0x3FFD];
	_ =	sdelay $0x3  }
0x96: {  	_ =	strace s2  }
0x97: {  	_ =	strace $0x8FFFFFFF  }
0x98: {  	s18 =	sld [smem:$0x3FDB];
	_ =	sdelay $0x1  }
0x99: {  	s19 =	simm.s32 $_scs_section_size  }
0x9a: {  	s4 =	simm.s32 $_size__tile_overlayer_lowered;
	s5 =	simm.s32 $_tile_overlayer_lowered  }
0x9b: {  	s22 =	simm.s32 $0x1BFF;
	s21 =	sshll.u32 s5, $0x1;
	s2 =	sadd.s32 s19, s18  }
0x9c: {  	s6 =	simm.s32 $0x0;
	s20 =	sshll.u32 s4, $0x1;
	s4 =	sadd.s32 s21, s2  }
0x9d: {  	[timem:s6], [sflag:s22] =	dma.local [hbm:s4], s20  }
0x9e: {  	_ =	swait.ge [sflag:s22], s20  }
0x9f: {  	s3 =	ssub.s32 $0x0, s20;
	[sflag:s22] =	ssyncset.done $0x0  }
0xa0: {  	[sflag:s22] =	ssyncadd.s32 s3;
	_ =	sdelay $0x1  }
0xa1: {  	s23 =	simm.s32 $0x1B8B  }
0xa2: {  	_ =	swait.ge [sflag:s23], $0x1  }
0xa3: {  	[sflag:s23] =	ssyncset.done $0x0  }
0xa4: {  	s25 =	simm.s32 $0x1B8E;
	s24 =	sld [smem:$0x3FFE];
	[sflag:s23] =	ssyncadd.s32 $0xFFFFFFFF  }
0xa5: {  	s26 =	simm.s32 $execute0_lowered;
	[smem:$0x3FD2] =	sst s25  }
0xa6: {  	s4 =	sshll.u32 s26, $0x1;
	_ =	strace $0x80000049;
	[dreg:$0x1] =	wrdreg $0xFFFFFFFF  }
0xa7: {  	s28 =	simm.s32 $_size_execute0_lowered;
	s2 =	sadd.s32 s2, s4;
	[dreg:$0x0] =	wrdreg $0x0  }
0xa8: {  	s4 =	sshll.u32 s28, $0x1;
	[dreg:$0x2] =	wrdreg s2  }
0xa9: {  	[dreg:$0x3] =	wrdreg s4  }
0xaa: {  	[dreg:$0x4] =	wrdreg $0xC0  }
0xab: {  	_ =	task [dreg:s6], $0x5FFFF  }
0xac: {  	[dreg:$0x1] =	wrdreg $0xFFFFFFFF  }
0xad: {  	[dreg:$0x0] =	wrdreg $0x60  }
0xae: {  	[dreg:$0x2] =	wrdreg s24  }
0xaf: {  	[dreg:$0x3] =	wrdreg $0xA  }
0xb0: {  	_ =	task.clear_ibuf [dreg:s6], $0x4FFFF;
	_ =	strace $0x90000049  }
0xb1: {  	s29 =	simm.s32 $0xA;
	_ =	strace $0x8000004B  }
0xb2: {  	_ =	swait.ge [sflag:s29], $0x1  }
0xb3: {  	[sflag:s29] =	ssyncadd.s32 $0xFFFFFFFF  }
0xb4: {  	_ =	strace $0x9000004B  }
0xb5: {  	_ =	sfence  }
0xb6: {  	s30 =	sld [smem:$0x0];
	_ =	sdelay $0x2  }
0xb7: {  	s31 =	sshll.u32 s1, $0xD;
	s1 =	sshrl.u32 s1, $0x2  }
0xb8: {  	s3 =	sand.u32 $0x4000, s31;
	s1 =	sadd.s32 s1, s30  }
0xb9: {  	s0 =	sor.u32 s3, s0;
	s1 =	sshll.u32 s1, $0x11  }
0xba: {  	s0 =	sor.u32 s1, s0  }
0xbb: {  	s0 =	sadd.s32 $0x8F2B, s0  }
0xbc: {  	[sflag:s0] =	ssyncadd.remote.s32 $0x1  }
0xbd: {  	_ =	sfence.sel $0xFFFF  }
0xbe: {  	[dreg:$0x0] =	wrdreg $0xFFFFFFFF;
	(pc) =	sbr.abs _section_cstart, $3  }
0xbf: {  	[dreg:$0x1] =	wrdreg $0xFFFFFFFF  }
0xc0: {  	_ =	task.clear_ibuf [dreg:s6], $0x2FFFF;
	_ =	strace $0x9FFFFFFF  }
0xc1: {  	(tm) =	ssettm $0x7FFFFFFF  }
tec
execute0_lowered:
.L_overlay_start_1:
0x0: {  	(tag) =	ssettag $0x1  }
0x1: {  	v0 =	vimm.s32 $0xEDCBA987;
	v3 =	vimm.s32 $0x65432100  }
0x2: {  	v5 =	vimm.s32 $0xDCBA9876;
	v6 =	vimm.s32 $0x54321000;
	v7 =	vimm.s32 $0xBA987654  }
0x3: {  	v8 =	vimm.s32 $0xE40000;
	v9 =	vimm.s32 $0x32100000;
	vm0 =	vmmov $0x3  }
0x4: {  	s1 =	srdreg.scid;
	s0 =	stileid.u32;
	vm2 =	vcmask $0x3F30;
	vm1 =	vmmov $0xf;
	v2 =	vunpack.c.l.s4.s8 v0  }
0x5: {  	s3 =	sand.u32 $0x1, s1;
	s31 =	sshll.u32 s0, $0x1;
	v3 =	vunpack.c.l.s4.s8 v3;
	v5 =	vunpack.c.l.s4.s8 v5;
	v6 =	vunpack.c.l.s4.s8 v6  }
0x6: {  	v7 =	vunpack.c.l.s4.s8 v7;
	v8 =	vunpack.c.l.s2.s4 v8;
	v9 =	vunpack.c.l.s4.s8 v9;
	s1 =	sor.u32 s3, s31  }
0x7: {  	s1 =	smul.u32 $0x140, s1;
	v4 =	vunpack.c.0.s8.s32 v2;
	v2 =	vimm.f32 $-3.000000010e+38;
	v5 =	vunpack.c.0.s8.s32 v5  }
0x8: {  	s5 =	rddreg [dreg:$0x0];
	s2 =	simm.s32 $0x0;
	s9 =	simm.s32 $0x13700;
	v3 =	vunpack.c.0.s8.s32 v3;
	v7 =	vunpack.c.0.s8.s32 v7;
	v8 =	vunpack.c.l.s4.s8 v8  }
0x9: {  	s10 =	simm.s32 $0x0;
	s6 =	ssub.s32 $0x2, s3;
	v6 =	vunpack.c.0.s8.s32 v6;
	s4 =	smin.u32 s1, $0x25D0;
	v4 =	vand.u32 $0xF, v4;
	v5 =	vand.u32 $0xF, v5  }
.Ltmp0:
0xa: {  	[smem:$0x7FF] =	sst s2;
	s8 =	sshrl.u32 s6, $0x1;
	v7 =	vand.u32 $0xF, v7;
	v8 =	vunpack.c.0.s8.s32 v8;
	v0 =	vmov s4;
	(pc) =	sbr.rel .LBB2_1-.Ltmp0, $4  }
0xb: {  	s3 =	sadd.s32 $0xE000, s5;
	s6 =	ssub.s32 s6, s8;
	s8 =	simm.s32 $0x2780;
	v5 =	vcombine.low v6, v5;
	v6 =	vunpack.c.0.s8.s32 v9;
	v9 =	vimm.s32 $0x7060504  }
0xc: {  	s6 =	smax.u32 s6, $0x1;
	s1 =	sadd.s32 $0x140, s4;
	v3 =	vcombine.low v3, v4;
	v4 =	vimm.s32 $0x0;
	s7 =	sshll.u32 s4, $0x4;
	v9 =	vunpack.c.0.s8.s32 v9  }
0xd: {  	s4 =	sadd.s32 $0xA03000, s5;
	v1 =	vmov s1;
	s1 =	rddreg [dreg:$0x1];
	s5 =	sadd.s32 s7, s5;
	v8 =	vand.u32 $0x3, v8;
	v6 =	vcombine.low v6, v7  }
0xe: {  	_ =	strace $0x8000004A;
	s7 =	simm.s32 $0x2;
	v7 =	vlaneseq.u32;
	s5 =	sadd.s32 $0x17E00, s5;
	v8 =	vsel vm2, v9, v8;
	vm2 =	vmmov $0xff  }
.LBB2_15:
0xf: {  	s10 =	sadd.s32 $0x1, s10  }
0x10: {  	p0 =	sne.s32 s10, s6  }
.Ltmp1:
0x11: {  	_ = 	snop;
	(pc) =	sbr.rel @!p0 .LBB2_16-.Ltmp1, $4  }
0x12: {  	[hbm4b:s5+s2] =	stream.linear.scatter [tilespmem:s9], [sflag:$0x2], $0xA000, $0x38;
	[tilespmem:$0x1D700] =	vst v63  }
0x13: {  	_ =	swait.ge [sflag:s7], $0xA000  }
0x14: {  	[sflag:s7] =	ssyncset.done $0x0  }
0x15: {  	[sflag:s7] =	ssyncadd.s32 $0xFFFF6000  }
.LBB2_1:
0x16: {  	s11 =	simm.s32 $0x70;
	s12 =	simm.s32 $0x3C0  }
.LBB2_2:
0x17: {  	p0 =	sne.s32 s12, $0x27FC0;
	[tilespmem:s11+$0x13700] =	vst v2  }
0x18: {  	[tilespmem:s11+$0x13690] =	vst v2  }
0x19: {  	[tilespmem:s11+$0x136A0] =	vst v2  }
.Ltmp2:
0x1a: {  	[tilespmem:s11+$0x136B0] =	vst v2;
	(pc) =	sbr.rel @p0 .LBB2_2-.Ltmp2, $4  }
0x1b: {  	[tilespmem:s11+$0x136C0] =	vst v2  }
0x1c: {  	[tilespmem:s11+$0x136D0] =	vst v2  }
0x1d: {  	[tilespmem:s11+$0x136E0] =	vst v2  }
0x1e: {  	[tilespmem:s11+$0x136F0] =	vst v2;
	s11 =	sshra.s32 s12, $0x2;
	s12 =	sadd.s32 $0x200, s12  }
0x1f: {  	[tilespmem:s11+$0x13700] =	vst v2  }
0x20: {  	[tilespmem:s11+$0x13690] =	vst v2  }
0x21: {  	[tilespmem:s11+$0x136A0] =	vst v2  }
0x22: {  	[tilespmem:s11+$0x136B0] =	vst v2  }
0x23: {  	[tilespmem:s11+$0x136C0] =	vst v2  }
0x24: {  	[tilespmem:s11+$0x136D0] =	vst v2  }
0x25: {  	[tilespmem:s11+$0x136E0] =	vst v2  }
0x26: {  	[tilespmem:s11+$0x136F0] =	vst v2;
	s12 =	simm.s32 $0x70;
	s11 =	simm.s32 $0x3C0  }
.LBB2_4:
0x27: {  	p0 =	sne.s32 s11, $0x9DC0;
	[tilespmem:s12+$0x2780] =	vst v4  }
0x28: {  	[tilespmem:s12+$0x2710] =	vst v4  }
0x29: {  	[tilespmem:s12+$0x2720] =	vst v4  }
.Ltmp3:
0x2a: {  	[tilespmem:s12+$0x2730] =	vst v4;
	(pc) =	sbr.rel @p0 .LBB2_4-.Ltmp3, $4  }
0x2b: {  	[tilespmem:s12+$0x2740] =	vst v4  }
0x2c: {  	[tilespmem:s12+$0x2750] =	vst v4  }
0x2d: {  	[tilespmem:s12+$0x2760] =	vst v4  }
0x2e: {  	[tilespmem:s12+$0x2770] =	vst v4;
	s12 =	sshra.s32 s11, $0x2;
	s11 =	sadd.s32 $0x200, s11  }
0x2f: {  	[tilespmem:s12+$0x2780] =	vst v4  }
0x30: {  	[tilespmem:s12+$0x2710] =	vst v4  }
0x31: {  	[tilespmem:s12+$0x2720] =	vst v4  }
.Ltmp4:
0x32: {  	[tilespmem:s12+$0x2730] =	vst v4;
	(pc) =	sbr.rel .LBB2_6-.Ltmp4, $4  }
0x33: {  	[tilespmem:s12+$0x2740] =	vst v4  }
0x34: {  	[tilespmem:s12+$0x2750] =	vst v4  }
0x35: {  	[tilespmem:s12+$0x2760] =	vst v4  }
0x36: {  	s11 =	simm.s32 $0x0;
	[tilespmem:s12+$0x2770] =	vst v4;
	s12 =	simm.s32 $0x0;
	s13 =	simm.s32 $0x0  }
.LBB2_14:
0x37: {  	s13 =	sadd.s32 $0x1, s13  }
0x38: {  	p0 =	sne.s32 s13, $0x20  }
.Ltmp5:
0x39: {  	_ = 	snop;
	(pc) =	sbr.rel @!p0 .LBB2_15-.Ltmp5, $2  }
0x3a: {  	_ =	sdelay $0x2  }
0x3b: {  	s12 =	sadd.s32 $0x2710, s12  }
.LBB2_6:
0x3c: {  	s14 =	smul.u32 $0x2710, s13;
	_ =	sdelay $0x1  }
0x3d: {  	s14 =	sshrl.u32 s14, $0x3  }
0x3e: {  	s14 =	sadd.s32 s3, s14  }
0x3f: {  	[tilespmem:s11], [sflag:$0x2] =	stream.linear.gather [hbm4b:s14+s11], $0x2710, $0x38;
	[tilespmem:$0x1D700] =	vst v63  }
0x40: {  	_ =	swait.ge [sflag:s7], $0x2710  }
0x41: {  	s16 =	smov.u32 s12;
	[sflag:s7] =	ssyncset.done $0x0  }
0x42: {  	s17 =	simm.s32 $0x0;
	s14 =	simm.s32 $0x0;
	[sflag:s7] =	ssyncadd.s32 $0xFFFFD8F0  }
.LBB2_7:
0x43: {  	s15 =	sshra.s32 s17, $0x2  }
0x44: {  	v9 =	vld [tilespmem:s15+$0x0];
	_ =	sdelay $0x4  }
0x45: {  	vm3 =	vge.s32 v9, v0;
	vm4 =	vlt.s32 v9, v1  }
0x46: {  	vm3 =	vmand vm3, vm4  }
0x47: {  	v10 =	vsel vm3, $0x1, v4  }
0x48: {  	v11 =	vperm.xlane v10, v3  }
0x49: {  	vm15 =	veq.s32 v7, $0x0  }
0x4a: {  	v11 =	vsel vm15, $0x0, v11  }
0x4b: {  	v10 =	vadd.s32 v10, v11  }
0x4c: {  	v12 =	vmpcnt.ones.xlane vm3;
	v11 =	vperm.xlane v10, v5;
	_ =	sdelay $0x1  }
0x4d: {  	(v2sf) =	vpush v12, $0x0;
	v11 =	vsel vm0, $0x0, v11  }
0x4e: {  	v10 =	vadd.s32 v11, v10  }
0x4f: {  	v11 =	vperm.xlane v10, v6;
	_ =	sdelay $0x1  }
0x50: {  	v11 =	vsel vm1, $0x0, v11  }
0x51: {  	v10 =	vadd.s32 v11, v10;
	v11 =	vmov s14  }
0x52: {  	v63 =	vperm.xlane v10, v8;
	v11 =	vadd.s32 $0xFFFFFFFF, v11  }
0x53: {  	v11 =	vbroadcast v11, $0x0  }
0x54: {  	v12 =	vsel vm2, $0x0, v63  }
0x55: {  	v11 =	vadd.s32 v12, v11  }
0x56: {  	v10 =	vadd.s32 v10, v11  }
0x57: {  	p0 =	sne.s32 s17, $0x9C00  }
.Ltmp6:
0x58: {  	_ = 	snop;
	(pc) =	sbr.rel @p0 .LBB2_7-.Ltmp6, $4  }
0x59: {  	_ = 	snop  }
0x5a: {  	v11 =	vor.u32 s16, v7  }
0x5b: {  	s15 =	simm.s32 $0x4F80;
	v9 =	vsub.s32 v9, v0;
	s18 =	spop (v2sf);
	[tilespmem:v10+s8+$0x0] =	vst.idx.msk vm3, v11  }
0x5c: {  	s17 =	sadd.s32 $0x40, s17;
	s16 =	sadd.s32 $0x10, s16;
	s14 =	sadd.s32 s14, s18;
	[tilespmem:v10+s15+$0x0] =	vst.idx.msk vm3, v9  }
.Ltmp7:
0x5d: {  	(pc) =	sbr.rel .LBB2_9-.Ltmp7, $2  }
0x5e: {  	_ =	sdelay $0x2  }
0x5f: {  	s16 =	simm.s32 $0x0;
	s17 =	smov.u32 s14  }
.LBB2_12:
0x60: {  	[tilespmem:s19+$0x13770] =	vst v9  }
.LBB2_13:
0x61: {  	s16 =	sadd.s32 $0x1, s16  }
0x62: {  	p0 =	sne.s32 s16, $0x1B  }
.Ltmp8:
0x63: {  	_ = 	snop;
	(pc) =	sbr.rel @!p0 .LBB2_14-.Ltmp8, $2  }
0x64: {  	_ =	sdelay $0x2  }
0x65: {  	s17 =	sadd.s32 $0xFFFFFE80, s17;
	s15 =	sadd.s32 $0x180, s15  }
.LBB2_9:
0x66: {  	s18 =	smul.u32 $0x180, s16;
	_ =	sdelay $0x1  }
0x67: {  	p0 =	sle.s32 s14, s18  }
0x68: {  	s19 =	smul.u32 @!p0 $0x600, s16  }
0x69: {  	s20 =	sadd.s32 $0x80, s18;
	s31 =	sadd.s32 $0x100, s18  }
0x6a: {  	p1 =	sge.s32 s20, s14;
	s20 =	simm.s32 @!p0 $0x80;
	s19 =	sshra.s32 @!p0 s19, $0x2  }
0x6b: {  	s21 =	simm.s32 @!p0 $0x7700;
	s22 =	smul.u32 @!p1 $0x600, s16;
	s19 =	sadd.s32 @!p0 $0x2780, s19  }
0x6c: {  	[tilespmem:s21], [sflag:$0x1] =	stream.indirect.gather @!p0 [hbm4b:s4+s20], $0x80, s19, s20, $0xb8;
	[tilespmem:$0x1D700] =	vst v63  }
0x6d: {  	p2 =	sge.s32 s31, s14;
	s19 =	sshra.s32 @!p1 s22, $0x2;
	s20 =	simm.s32 @!p1 $0x80  }
0x6e: {  	s21 =	simm.s32 @!p1 $0xB700;
	s22 =	smul.u32 @!p2 $0x600, s16;
	s19 =	sadd.s32 @!p1 $0x2800, s19  }
0x6f: {  	[tilespmem:s21], [sflag:$0x1] =	stream.indirect.gather @!p1 [hbm4b:s4+s20], $0x80, s19, s20, $0xb8;
	[tilespmem:$0x1D700] =	vst v63  }
0x70: {  	s19 =	sshra.s32 @!p2 s22, $0x2  }
0x71: {  	s20 =	simm.s32 @!p2 $0x80;
	s21 =	simm.s32 @!p2 $0xF700;
	s19 =	sadd.s32 @!p2 $0x2880, s19  }
0x72: {  	[tilespmem:s21], [sflag:$0x1] =	stream.indirect.gather @!p2 [hbm4b:s4+s20], $0x80, s19, s20, $0xb8;
	[tilespmem:$0x1D700] =	vst v63  }
0x73: {  	s19 =	simm.s32 @!p0 $0x1  }
0x74: {  	_ =	swait.ge @!p0 [sflag:s19], $0x4000  }
0x75: {  	[sflag:s19] =	ssyncset.done @!p0 $0x0  }
0x76: {  	s18 =	ssub.s32 s14, s18;
	[sflag:s19] =	ssyncadd.s32 @!p0 $0xFFFFC000;
	s19 =	simm.s32 @!p1 $0x1  }
0x77: {  	p0 =	slt.s32 s18, $0x1;
	_ =	swait.ge @!p1 [sflag:s19], $0x4000  }
.Ltmp9:
0x78: {  	[sflag:s19] =	ssyncset.done @!p1 $0x0;
	(pc) =	sbr.rel @p0 .LBB2_13-.Ltmp9, $4  }
0x79: {  	[sflag:s19] =	ssyncadd.s32 @!p1 $0xFFFFC000;
	s19 =	simm.s32 @!p2 $0x1  }
0x7a: {  	_ =	swait.ge @!p2 [sflag:s19], $0x4000  }
0x7b: {  	[sflag:s19] =	ssyncset.done @!p2 $0x0  }
0x7c: {  	[sflag:s19] =	ssyncadd.s32 @!p2 $0xFFFFC000  }
0x7d: {  	v9 =	vld [tilespmem:s15+$0x0];
	_ =	sdelay $0x4  }
0x7e: {  	(v2sf) =	vpush v9, $0x0;
	_ =	sdelay $0xe  }
0x7f: {  	s19 =	spop (v2sf)  }
0x80: {  	s18 =	simm.s32 $0x7740;
	s19 =	sshll.u32 s19, $0x9  }
0x81: {  	v9 =	vld [tilespmem:s18+$0xFFFFFFC0];
	s19 =	sshra.s32 s19, $0x2  }
0x82: {  	v10 =	vld [tilespmem:s19+$0x13700];
	_ =	sdelay $0x4  }
0x83: {  	v9 =	vmax.f32 v10, v9  }
0x84: {  	[tilespmem:s19+$0x13700] =	vst v9;
	v9 =	vld [tilespmem:s19+$0x13710]  }
0x85: {  	v10 =	vld [tilespmem:s18+$0xFFFFFFD0];
	_ =	sdelay $0x4  }
0x86: {  	v9 =	vmax.f32 v9, v10  }
0x87: {  	[tilespmem:s19+$0x13710] =	vst v9;
	v9 =	vld [tilespmem:s19+$0x13720]  }
0x88: {  	v10 =	vld [tilespmem:s18+$0xFFFFFFE0];
	_ =	sdelay $0x4  }
0x89: {  	v9 =	vmax.f32 v9, v10  }
0x8a: {  	[tilespmem:s19+$0x13720] =	vst v9;
	v9 =	vld [tilespmem:s19+$0x13730]  }
0x8b: {  	v10 =	vld [tilespmem:s18+$0xFFFFFFF0];
	_ =	sdelay $0x4  }
0x8c: {  	v9 =	vmax.f32 v9, v10  }
0x8d: {  	[tilespmem:s19+$0x13730] =	vst v9;
	v9 =	vld [tilespmem:s19+$0x13740]  }
0x8e: {  	v10 =	vld [tilespmem:s18+$0x0];
	_ =	sdelay $0x4  }
0x8f: {  	v9 =	vmax.f32 v9, v10  }
0x90: {  	[tilespmem:s19+$0x13740] =	vst v9;
	v9 =	vld [tilespmem:s19+$0x13750]  }
0x91: {  	v10 =	vld [tilespmem:s18+$0x10];
	_ =	sdelay $0x4  }
0x92: {  	v9 =	vmax.f32 v9, v10  }
0x93: {  	[tilespmem:s19+$0x13750] =	vst v9;
	v9 =	vld [tilespmem:s19+$0x13760]  }
0x94: {  	v10 =	vld [tilespmem:s18+$0x20];
	_ =	sdelay $0x3  }
0x95: {  	p0 =	sgt.s32 s17, $0x1;
	s20 =	smov.u32 s17  }
0x96: {  	s20 =	simm.s32 @!p0 $0x1;
	v9 =	vmax.f32 v9, v10  }
0x97: {  	s20 =	smin.u32 s20, $0x180;
	[tilespmem:s19+$0x13760] =	vst v9;
	v9 =	vld [tilespmem:s19+$0x13770]  }
0x98: {  	p0 =	sne.s32 s20, $0x1;
	v10 =	vld [tilespmem:s18+$0x30]  }
.Ltmp10:
0x99: {  	_ = 	snop;
	(pc) =	sbr.rel @!p0 .LBB2_12-.Ltmp10, $2  }
0x9a: {  	_ =	sdelay $0x2  }
0x9b: {  	s21 =	smov.u32 s15;
	s20 =	sadd.s32 $0xFFFFFFFF, s20;
	v9 =	vmax.f32 v9, v10  }
.LBB2_11:
0x9c: {  	p0 =	sne.s32 s20, $0x1;
	[tilespmem:s19+$0x13770] =	vst v9;
	s21 =	sadd.s32 $0x1, s21;
	s18 =	sadd.s32 $0x80, s18  }
0x9d: {  	s20 =	sadd.s32 $0xFFFFFFFF, s20;
	v9 =	vld [tilespmem:s21+$0x0];
	_ =	sdelay $0x4  }
0x9e: {  	(v2sf) =	vpush v9, $0x0;
	_ =	sdelay $0xe  }
0x9f: {  	s19 =	spop (v2sf)  }
0xa0: {  	s19 =	sshll.u32 s19, $0x9  }
0xa1: {  	s19 =	sshra.s32 s19, $0x2;
	v9 =	vld [tilespmem:s18+$0xFFFFFFC0]  }
0xa2: {  	v10 =	vld [tilespmem:s19+$0x13700];
	_ =	sdelay $0x4  }
0xa3: {  	v9 =	vmax.f32 v10, v9  }
0xa4: {  	[tilespmem:s19+$0x13700] =	vst v9;
	v9 =	vld [tilespmem:s19+$0x13710]  }
0xa5: {  	v10 =	vld [tilespmem:s18+$0xFFFFFFD0];
	_ =	sdelay $0x4  }
0xa6: {  	v9 =	vmax.f32 v9, v10  }
0xa7: {  	[tilespmem:s19+$0x13710] =	vst v9;
	v9 =	vld [tilespmem:s19+$0x13720]  }
0xa8: {  	v10 =	vld [tilespmem:s18+$0xFFFFFFE0];
	_ =	sdelay $0x4  }
0xa9: {  	v9 =	vmax.f32 v9, v10  }
0xaa: {  	[tilespmem:s19+$0x13720] =	vst v9;
	v9 =	vld [tilespmem:s19+$0x13730]  }
0xab: {  	v10 =	vld [tilespmem:s18+$0xFFFFFFF0];
	_ =	sdelay $0x4  }
0xac: {  	v9 =	vmax.f32 v9, v10  }
0xad: {  	[tilespmem:s19+$0x13730] =	vst v9;
	v9 =	vld [tilespmem:s19+$0x13740]  }
0xae: {  	v10 =	vld [tilespmem:s18+$0x0];
	_ =	sdelay $0x4  }
0xaf: {  	v9 =	vmax.f32 v9, v10  }
0xb0: {  	[tilespmem:s19+$0x13740] =	vst v9;
	v9 =	vld [tilespmem:s19+$0x13750]  }
0xb1: {  	v10 =	vld [tilespmem:s18+$0x10];
	_ =	sdelay $0x4  }
0xb2: {  	v9 =	vmax.f32 v9, v10  }
0xb3: {  	[tilespmem:s19+$0x13750] =	vst v9;
	v9 =	vld [tilespmem:s19+$0x13760]  }
0xb4: {  	v10 =	vld [tilespmem:s18+$0x20];
	_ =	sdelay $0x4  }
0xb5: {  	v9 =	vmax.f32 v9, v10  }
0xb6: {  	[tilespmem:s19+$0x13760] =	vst v9;
	v9 =	vld [tilespmem:s19+$0x13770]  }
0xb7: {  	v10 =	vld [tilespmem:s18+$0x30]  }
.Ltmp11:
0xb8: {  	(pc) =	sbr.rel @p0 .LBB2_11-.Ltmp11, $2  }
0xb9: {  	_ =	sdelay $0x2  }
0xba: {  	v9 =	vmax.f32 v9, v10  }
.Ltmp12:
0xbb: {  	_ = 	snop;
	(pc) =	sbr.rel .LBB2_12-.Ltmp12, $1  }
0xbc: {  	_ =	sdelay $0x3  }
.LBB2_16:
0xbd: {  	_ =	sfence.sel $0x180000  }
0xbe: {  	[bflag:$0x0] =	sbarrier.arrive $0xFFFF  }
0xbf: {  	p0 =	sne.s32 s0, $0x0;
	_ =	strace $0x9000004A  }
0xc0: {  	s0 =	sadd.s32 @!p0 $0x100000, s1;
	[bflag:$0x2] =	sbarrier.arrive $0xFFFF  }
0xc1: {  	[sflag:s0] =	ssyncadd.tile.s32 @!p0 $0x1;
	_ =	shalt  }
.Lfunc_end2:
_tile_overlayer_lowered:
.L_overlay_start_2:
0xc2: {  	(tag) =	ssettag $0x2  }
0xc3: {  	s0 =	rddreg [dreg:$0x0];
	s2 =	stileid.u32  }
0xc4: {  	s1 =	rddreg [dreg:$0x1];
	p0 =	sne.s32 s2, $0x0  }
0xc5: {  	s3 =	rddreg [dreg:$0x2];
	[bflag:$0x3] =	sbarrier.arrive $0xFFFF;
	s2 =	simm.s32 @!p0 $0x1C02  }
0xc6: {  	[timem:s3], [sflag:s2] =	dma.local @!p0 [hbm:s0], s1  }
0xc7: {  	s0 =	simm.s32 @!p0 $0x2  }
0xc8: {  	_ =	swait.ge @!p0 [sflag:s0], s1  }
0xc9: {  	s1 =	ssub.s32 @!p0 $0x0, s1;
	[sflag:s0] =	ssyncset.done @!p0 $0x0  }
0xca: {  	[sflag:s0] =	ssyncadd.s32 @!p0 s1  }
0xcb: {  	[bflag:$0x3] =	sbarrier.arrive $0xFFFF  }
0xcc: {  	_ =	shalt  }

// kernel: kernel.8.cloned.1.call-start
scs
__scs_entry_jumppad:
0x0: {  	(pc) =	sbr.rel $0x88, $3  }
0x1: {  	(tag) =	ssettag $0x0;
	lr =	simm.s32 $0x1  }
0x2: {  	[smem:$0x3F88] =	sst lr;
	_ =	strace $0xD0000000  }
0x3: {  	_ = 	snop  }
0x4: {  	_ = 	snop  }
0x5: {  	_ = 	snop  }
0x6: {  	_ = 	snop  }
0x7: {  	_ = 	snop  }
__scs_overlays_trampoline_lowered:
0x8: {  	[smem:$0x3F97] =	sst s0  }
0x9: {  	[smem:$0x3F98] =	sst s1  }
0xa: {  	[smem:$0x3F99] =	sst s2  }
0xb: {  	[smem:$0x3F9A] =	sst s3  }
0xc: {  	[smem:$0x3F9B] =	sst s4  }
0xd: {  	[smem:$0x3F9C] =	sst s5  }
0xe: {  	[smem:$0x3F9D] =	sst s6  }
0xf: {  	[smem:$0x3F9E] =	sst s7  }
0x10: {  	[smem:$0x3F9F] =	sst s8  }
0x11: {  	[smem:$0x3FA0] =	sst s9;
	s0 =	simm.s32 @!p0 $0x0  }
0x12: {  	s1 =	sld [smem:$0x3F86];
	s0 =	simm.s32 @p0 $0x1  }
0x13: {  	[smem:$0x3FA1] =	sst s0;
	s0 =	simm.s32 @!p1 $0x0  }
0x14: {  	s2 =	sld [smem:$0x3F85];
	s0 =	simm.s32 @p1 $0x1  }
0x15: {  	[smem:$0x3FA2] =	sst s0;
	s0 =	simm.s32 @!p2 $0x0  }
0x16: {  	s3 =	sld [smem:$0x3FDB];
	s0 =	simm.s32 @p2 $0x1  }
0x17: {  	s4 =	simm.s32 $0x1BF5;
	[smem:$0x3FA4] =	sst s0  }
0x18: {  	s0 =	sld [smem:$0x3F87];
	_ =	swait.ge [sflag:s4], $0x0  }
0x19: {  	s7 =	sld [smem:$0x3F88]  }
0x1a: {  	s8 =	sadd.s32 $0xFFFFE003, lr  }
0x1b: {  	s9 =	sadd.s32 $0xFFFFFEF7, lr;
	s5 =	simm.s32 $0xFFFFFFFF;
	p2 =	slt.u32 s8, $0xFFFFF086  }
0x1c: {  	p1 =	slt.u32 s9, $0xF7A;
	s5 =	simm.s32 @!p2 $0x0  }
0x1d: {  	s5 =	simm.s32 @p1 $0x1;
	p0 =	seq.s32 s7, s2  }
0x1e: {  	s7 =	smul.u32 @!p0 $0xF7A, s2;
	p2 =	seq.s32 @!p0 s5, $0x0  }
0x1f: {  	s9 =	smul.u32 $0xF7A, s1;
	s8 =	simm.s32 @!p0 $0x1BF5;
	p2 =	por !p2, p0  }
0x20: {  	[sflag:s8] =	ssyncset.s32 @!p0 $0xFFFFF086;
	s6 =	sadd.s32 @!p0 s3, s7;
	s7 =	simm.s32 @!p0 $0x108  }
0x21: {  	s3 =	sadd.s32 s3, s9;
	s6 =	sadd.s32 @!p0 $0x88, s6;
	s7 =	simm.s32 @p2 $0x1082  }
0x22: {  	[simem:s7], [sflag:s8] =	dma.local @!p0 [hbm:s6], $0xF7A  }
0x23: {  	s9 =	sor.u32 $0xD0000000, s2;
	s6 =	simm.s32 $0x108;
	_ =	swait.ge @!p0 [sflag:s8], $0x0  }
0x24: {  	s3 =	sadd.s32 $0x88, s3;
	s6 =	simm.s32 @!p1 $0x1082;
	[sflag:s4] =	ssyncset.s32 $0xFFFFF086  }
0x25: {  	[simem:s6], [sflag:s4] =	dma.local [hbm:s3], $0xF7A  }
0x26: {  	[smem:$0x3F88] =	sst s1;
	(tag) =	ssettag s2;
	_ =	strace s9  }
0x27: {  	s1 =	sld [smem:$0x3F98]  }
0x28: {  	s2 =	sld [smem:$0x3F99]  }
0x29: {  	s4 =	sld [smem:$0x3F9B]  }
0x2a: {  	p0 =	seq.s32 s5, $0x0;
	s5 =	sld [smem:$0x3F9C]  }
0x2b: {  	s6 =	sld [smem:$0x3F9D]  }
0x2c: {  	s7 =	sld [smem:$0x3F9E]  }
0x2d: {  	s3 =	simm.s32 $0x108;
	s8 =	sld [smem:$0x3F9F]  }
0x2e: {  	s3 =	simm.s32 @!p0 $0x1082;
	s9 =	sld [smem:$0x3FA0]  }
0x2f: {  	lr =	sadd.s32 s0, s3;
	s0 =	sld [smem:$0x3F97]  }
0x30: {  	s3 =	sld [smem:$0x3F9A]  }
0x31: {  	[smem:$0x3FA3] =	sst s10  }
0x32: {  	s10 =	sld [smem:$0x3FA1];
	_ =	sdelay $0x3  }
0x33: {  	p0 =	seq.s32 s10, $0x1;
	s10 =	sld [smem:$0x3FA3];
	_ =	sdelay $0x3  }
0x34: {  	[smem:$0x3FA3] =	sst s10  }
0x35: {  	s10 =	sld [smem:$0x3FA2];
	_ =	sdelay $0x3  }
0x36: {  	p1 =	seq.s32 s10, $0x1;
	s10 =	sld [smem:$0x3FA3];
	_ =	sdelay $0x3  }
0x37: {  	[smem:$0x3FA3] =	sst s10  }
0x38: {  	s10 =	sld [smem:$0x3FA4]  }
0x39: {  	_ = 	snop;
	(pc) =	sbr.ind lr, $3  }
0x3a: {  	_ = 	snop  }
0x3b: {  	_ = 	snop  }
0x3c: {  	p2 =	seq.s32 s10, $0x1;
	s10 =	sld [smem:$0x3FA3]  }
0x3d: {  	_ =	shalt  }
0x3e: {  	_ =	shalt  }
0x3f: {  	_ =	shalt  }
0x40: {  	_ =	shalt  }
0x41: {  	_ =	shalt  }
0x42: {  	_ =	shalt  }
0x43: {  	_ =	shalt  }
0x44: {  	_ =	shalt  }
0x45: {  	_ =	shalt  }
0x46: {  	_ =	shalt  }
0x47: {  	_ =	shalt  }
0x48: {  	_ =	shalt  }
0x49: {  	_ =	shalt  }
0x4a: {  	_ =	shalt  }
0x4b: {  	_ =	shalt  }
0x4c: {  	_ =	shalt  }
0x4d: {  	_ =	shalt  }
0x4e: {  	_ =	shalt  }
0x4f: {  	_ =	shalt  }
0x50: {  	_ =	shalt  }
0x51: {  	_ =	shalt  }
0x52: {  	_ =	shalt  }
0x53: {  	_ =	shalt  }
0x54: {  	_ =	shalt  }
0x55: {  	_ =	shalt  }
0x56: {  	_ =	shalt  }
0x57: {  	_ =	shalt  }
0x58: {  	_ =	shalt  }
0x59: {  	_ =	shalt  }
0x5a: {  	_ =	shalt  }
0x5b: {  	_ =	shalt  }
0x5c: {  	_ =	shalt  }
0x5d: {  	_ =	shalt  }
0x5e: {  	_ =	shalt  }
0x5f: {  	_ =	shalt  }
0x60: {  	_ =	shalt  }
0x61: {  	_ =	shalt  }
0x62: {  	_ =	shalt  }
0x63: {  	_ =	shalt  }
0x64: {  	_ =	shalt  }
0x65: {  	_ =	shalt  }
0x66: {  	_ =	shalt  }
0x67: {  	_ =	shalt  }
0x68: {  	_ =	shalt  }
0x69: {  	_ =	shalt  }
0x6a: {  	_ =	shalt  }
0x6b: {  	_ =	shalt  }
0x6c: {  	_ =	shalt  }
0x6d: {  	_ =	shalt  }
0x6e: {  	_ =	shalt  }
0x6f: {  	_ =	shalt  }
0x70: {  	_ =	shalt  }
0x71: {  	_ =	shalt  }
0x72: {  	_ =	shalt  }
0x73: {  	_ =	shalt  }
0x74: {  	_ =	shalt  }
0x75: {  	_ =	shalt  }
0x76: {  	_ =	shalt  }
0x77: {  	_ =	shalt  }
0x78: {  	_ =	shalt  }
0x79: {  	_ =	shalt  }
0x7a: {  	_ =	shalt  }
0x7b: {  	_ =	shalt  }
0x7c: {  	_ =	shalt  }
0x7d: {  	_ =	shalt  }
0x7e: {  	_ =	shalt  }
0x7f: {  	_ =	shalt  }
0x80: {  	_ =	shalt  }
0x81: {  	_ =	shalt  }
0x82: {  	_ =	shalt  }
0x83: {  	_ =	shalt  }
0x84: {  	_ =	shalt  }
0x85: {  	_ =	shalt  }
0x86: {  	_ =	shalt  }
0x87: {  	_ =	shalt  }
.Lfunc_end0:
.L_simem_size_0:
called_computation_lowered:
.L_overlay_start_0:
0x88: {  	s2 =	sld [smem:$0x3FD9]  }
0x89: {  	s3 =	sld [smem:$0x3FFE];
	_ =	sdelay $0x1  }
0x8a: {  	s1 =	srdreg.scid  }
0x8b: {  	s0 =	sand.u32 $0x1, s1  }
0x8c: {  	s14 =	sshll.u32 s0, $0xA;
	s2 =	sadd.s32 s3, s2  }
0x8d: {  	s2 =	sadd.s32 s2, s14  }
0x8e: {  	[smem:$0x3FAF] =	sst s2  }
0x8f: {  	_ = 	snop  }
0x90: {  	s2 =	sld [smem:$0x3FD0];
	_ =	sdelay $0x2  }
0x91: {  	s15 =	simm.s32 $0xB;
	s4 =	simm.s32 $0x10  }
0x92: {  	[smem:s4], [sflag:s15] =	dma.local [hbm:s2], $0x1  }
0x93: {  	_ =	swait.eq [sflag:s15], $0x1  }
0x94: {  	[sflag:s15] =	ssyncset.done $0x0  }
0x95: {  	[sflag:s15] =	ssyncadd.s32 $0xFFFFFFFF  }
0x96: {  	s16 =	sld [smem:$0x10];
	(tm) =	ssettm $0x1  }
0x97: {  	s17 =	sld [smem:$0x3FFB];
	_ =	sdelay $0x3  }
0x98: {  	_ =	strace s17  }
0x99: {  	s3 =	sld [smem:$0x3FFC];
	_ =	sdelay $0x3  }
0x9a: {  	_ =	strace s3  }
0x9b: {  	s3 =	sld [smem:$0x3FFD];
	_ =	sdelay $0x3  }
0x9c: {  	_ =	strace s3  }
0x9d: {  	_ =	strace $0x8FFFFFFF  }
0x9e: {  	s18 =	sld [smem:$0x3FDB];
	_ =	sdelay $0x1  }
0x9f: {  	s19 =	simm.s32 $_scs_section_size  }
0xa0: {  	s5 =	simm.s32 $_size__tile_overlayer_lowered;
	s6 =	simm.s32 $_tile_overlayer_lowered  }
0xa1: {  	s22 =	simm.s32 $0x1BFF;
	s21 =	sshll.u32 s6, $0x1;
	s3 =	sadd.s32 s19, s18  }
0xa2: {  	s7 =	simm.s32 $0x0;
	s20 =	sshll.u32 s5, $0x1;
	s5 =	sadd.s32 s21, s3  }
0xa3: {  	[timem:s7], [sflag:s22] =	dma.local [hbm:s5], s20  }
0xa4: {  	_ =	swait.ge [sflag:s22], s20  }
0xa5: {  	s4 =	ssub.s32 $0x0, s20;
	[sflag:s22] =	ssyncset.done $0x0  }
0xa6: {  	[sflag:s22] =	ssyncadd.s32 s4;
	_ =	sdelay $0x1  }
0xa7: {  	s23 =	simm.s32 $0x1B8B  }
0xa8: {  	_ =	swait.ge [sflag:s23], $0x1  }
0xa9: {  	[sflag:s23] =	ssyncset.done $0x0  }
0xaa: {  	s25 =	simm.s32 $0x1B8E;
	s24 =	sld [smem:$0x3FFE];
	[sflag:s23] =	ssyncadd.s32 $0xFFFFFFFF  }
0xab: {  	s26 =	simm.s32 $execute0_lowered;
	[smem:$0x3FD2] =	sst s25  }
0xac: {  	s5 =	sshll.u32 s26, $0x1;
	_ =	strace $0x80000046;
	[dreg:$0x1] =	wrdreg $0xFFFFFFFF  }
0xad: {  	s28 =	simm.s32 $_size_execute0_lowered;
	s3 =	sadd.s32 s3, s5;
	[dreg:$0x0] =	wrdreg $0x0  }
0xae: {  	s5 =	sshll.u32 s28, $0x1;
	[dreg:$0x2] =	wrdreg s3  }
0xaf: {  	[dreg:$0x3] =	wrdreg s5  }
0xb0: {  	[dreg:$0x4] =	wrdreg $0xC0  }
0xb1: {  	_ =	task [dreg:s7], $0x5FFFF  }
0xb2: {  	[dreg:$0x1] =	wrdreg $0xFFFFFFFF  }
0xb3: {  	[dreg:$0x0] =	wrdreg $0x60  }
0xb4: {  	[dreg:$0x2] =	wrdreg s24  }
0xb5: {  	[dreg:$0x3] =	wrdreg s16  }
0xb6: {  	[dreg:$0x4] =	wrdreg $0x9  }
0xb7: {  	_ =	task.clear_ibuf [dreg:s7], $0x5FFFF;
	_ =	strace $0x90000046  }
0xb8: {  	s29 =	simm.s32 $0x9;
	_ =	strace $0x80000048  }
0xb9: {  	_ =	swait.ge [sflag:s29], $0x1  }
0xba: {  	[sflag:s29] =	ssyncadd.s32 $0xFFFFFFFF  }
0xbb: {  	_ =	strace $0x90000048  }
0xbc: {  	_ =	sfence  }
0xbd: {  	s30 =	sld [smem:$0x0];
	_ =	sdelay $0x2  }
0xbe: {  	s31 =	sshll.u32 s1, $0xD;
	s1 =	sshrl.u32 s1, $0x2  }
0xbf: {  	s3 =	sand.u32 $0x4000, s31;
	s1 =	sadd.s32 s1, s30  }
0xc0: {  	s0 =	sor.u32 s3, s0;
	s1 =	sshll.u32 s1, $0x11  }
0xc1: {  	s0 =	sor.u32 s1, s0  }
0xc2: {  	s0 =	sadd.s32 $0x8F2B, s0  }
0xc3: {  	[sflag:s0] =	ssyncadd.remote.s32 $0x1  }
0xc4: {  	_ =	sfence.sel $0xFFFF  }
0xc5: {  	[dreg:$0x0] =	wrdreg $0xFFFFFFFF;
	(pc) =	sbr.abs _section_cstart, $3  }
0xc6: {  	[dreg:$0x1] =	wrdreg $0xFFFFFFFF  }
0xc7: {  	_ =	task.clear_ibuf [dreg:s7], $0x2FFFF;
	_ =	strace $0x9FFFFFFF  }
0xc8: {  	(tm) =	ssettm $0x7FFFFFFF  }
0xc9: {  	_ =	shalt  }
tec
execute0_lowered:
.L_overlay_start_1:
0x0: {  	(tag) =	ssettag $0x1  }
0x1: {  	s5 =	rddreg [dreg:$0x0]  }
0x2: {  	s2 =	rddreg [dreg:$0x1]  }
0x3: {  	s0 =	rddreg [dreg:$0x2];
	s3 =	simm.s32 $0x0;
	s4 =	srdreg.scid  }
0x4: {  	s1 =	stileid.u32;
	s11 =	simm.s32 $0x200;
	s12 =	simm.s32 $0x190  }
0x5: {  	s13 =	simm.s32 $0x400;
	s14 =	simm.s32 $0xCC00;
	s15 =	simm.s32 $0x1  }
0x6: {  	s16 =	simm.s32 $0x2;
	s17 =	simm.s32 $0x0;
	s7 =	smul.u32 $0x4E20, s1  }
0x7: {  	[smem:$0x7FF] =	sst s3;
	s6 =	sand.u32 $0x1, s4;
	s9 =	smul.u32 $0x4E200, s1  }
0x8: {  	s4 =	sadd.s32 $0x17E00, s5;
	s8 =	smul.u32 $0x2710, s6;
	s10 =	ssub.s32 $0x2, s6  }
0x9: {  	_ =	strace $0x80000047;
	s6 =	smul.u32 $0x27100, s6;
	s29 =	sshrl.u32 s10, $0x1  }
0xa: {  	s9 =	sadd.s32 s9, s5;
	s7 =	sadd.s32 s8, s7;
	s8 =	ssub.s32 s10, s29  }
0xb: {  	s31 =	sadd.s32 s6, s9;
	s10 =	simm.s32 $0x3;
	s7 =	sshrl.u32 s7, $0x3  }
0xc: {  	s6 =	sadd.s32 $0x3F000, s31;
	s30 =	sadd.s32 s7, s5;
	s5 =	smax.u32 s8, $0x1  }
0xd: {  	s7 =	sadd.s32 $0x521000, s31;
	s8 =	sadd.s32 $0xE000, s30;
	s9 =	sadd.s32 $0x4200, s30  }
.LBB2_1:
0xe: {  	s18 =	sadd.s32 $0x0, s9  }
0xf: {  	[tilespmem:s3], [sflag:$0x3] =	stream.linear.gather [hbm4b:s18+s3], $0x190, $0x38;
	[tilespmem:$0x19400] =	vst v63  }
0x10: {  	_ =	swait.ge [sflag:s10], $0x190  }
0x11: {  	[sflag:s10] =	ssyncset.done $0x0  }
0x12: {  	s31 =	sadd.s32 $0x0, s8;
	[sflag:s10] =	ssyncadd.s32 $0xFFFFFE70  }
0x13: {  	[tilespmem:s11], [sflag:$0x3] =	stream.linear.gather [hbm4b:s31+s3], $0x190, $0x38;
	[tilespmem:$0x19400] =	vst v63  }
0x14: {  	_ =	swait.ge [sflag:s10], $0x190  }
0x15: {  	[sflag:s10] =	ssyncset.done $0x0  }
0x16: {  	[sflag:s10] =	ssyncadd.s32 $0xFFFFFE70  }
0x17: {  	[tilespmem:s13], [sflag:$0x1] =	stream.indirect.gather [hbm4b:s4+s12], $0x80, s3, s12, $0xb8;
	[tilespmem:$0x19400] =	vst v63  }
0x18: {  	_ = 	snop  }
0x19: {  	[tilespmem:s14], [sflag:$0x2] =	stream.indirect.gather [hbm4b:s2+s12], $0x80, s11, s12, $0xb8;
	[tilespmem:$0x19400] =	vst v63  }
0x1a: {  	_ =	swait.ge [sflag:s15], $0xC800  }
0x1b: {  	[sflag:s15] =	ssyncset.done $0x0  }
0x1c: {  	[sflag:s15] =	ssyncadd.s32 $0xFFFF3800  }
0x1d: {  	_ =	swait.ge [sflag:s16], $0xC800  }
0x1e: {  	[sflag:s16] =	ssyncset.done $0x0  }
0x1f: {  	[sflag:s16] =	ssyncadd.s32 $0xFFFF3800  }
0x20: {  	[hbm4b:s6+s3] =	stream.linear.scatter [tilespmem:s13], [sflag:$0x3], $0xC800, $0x38;
	[tilespmem:$0x19400] =	vst v63  }
0x21: {  	_ =	swait.ge [sflag:s10], $0xC800  }
0x22: {  	[sflag:s10] =	ssyncset.done $0x0  }
0x23: {  	[sflag:s10] =	ssyncadd.s32 $0xFFFF3800  }
0x24: {  	[hbm4b:s7+s3] =	stream.linear.scatter [tilespmem:s14], [sflag:$0x3], $0xC800, $0x38;
	[tilespmem:$0x19400] =	vst v63  }
0x25: {  	s20 =	simm.s32 $0x32;
	s21 =	simm.s32 $0x64;
	_ =	swait.ge [sflag:s10], $0xC800  }
0x26: {  	s19 =	sadd.s32 $0x1900, s6;
	s18 =	sadd.s32 $0x1900, s7;
	[sflag:s10] =	ssyncset.done $0x0  }
.LBB2_2:
0x27: {  	s22 =	sadd.s32 s20, s9  }
0x28: {  	[sflag:s10] =	ssyncadd.s32 $0xFFFF3800;
	s23 =	smov.u32 s21;
	s24 =	sadd.s32 $0x32, s21  }
0x29: {  	[tilespmem:s3], [sflag:$0x3] =	stream.linear.gather [hbm4b:s22+s3], $0x190, $0x38;
	[tilespmem:$0x19400] =	vst v63  }
0x2a: {  	p0 =	sne.s32 s21, $0x4B0;
	_ =	swait.ge [sflag:s10], $0x190  }
0x2b: {  	[sflag:s10] =	ssyncset.done $0x0  }
0x2c: {  	s21 =	sadd.s32 s20, s8;
	s20 =	smov.u32 s23;
	[sflag:s10] =	ssyncadd.s32 $0xFFFFFE70  }
0x2d: {  	[tilespmem:s11], [sflag:$0x3] =	stream.linear.gather [hbm4b:s21+s3], $0x190, $0x38;
	[tilespmem:$0x19400] =	vst v63  }
0x2e: {  	_ =	swait.ge [sflag:s10], $0x190  }
0x2f: {  	[sflag:s10] =	ssyncset.done $0x0  }
0x30: {  	[sflag:s10] =	ssyncadd.s32 $0xFFFFFE70  }
0x31: {  	[tilespmem:s13], [sflag:$0x1] =	stream.indirect.gather [hbm4b:s4+s12], $0x80, s3, s12, $0xb8;
	[tilespmem:$0x19400] =	vst v63  }
0x32: {  	_ = 	snop  }
0x33: {  	[tilespmem:s14], [sflag:$0x2] =	stream.indirect.gather [hbm4b:s2+s12], $0x80, s11, s12, $0xb8;
	[tilespmem:$0x19400] =	vst v63  }
0x34: {  	_ =	swait.ge [sflag:s15], $0xC800  }
0x35: {  	[sflag:s15] =	ssyncset.done $0x0  }
0x36: {  	[sflag:s15] =	ssyncadd.s32 $0xFFFF3800  }
0x37: {  	_ =	swait.ge [sflag:s16], $0xC800  }
0x38: {  	[sflag:s16] =	ssyncset.done $0x0  }
0x39: {  	[sflag:s16] =	ssyncadd.s32 $0xFFFF3800  }
0x3a: {  	[hbm4b:s19+s3] =	stream.linear.scatter [tilespmem:s13], [sflag:$0x3], $0xC800, $0x38;
	[tilespmem:$0x19400] =	vst v63  }
0x3b: {  	_ =	swait.ge [sflag:s10], $0xC800  }
.Ltmp0:
0x3c: {  	[sflag:s10] =	ssyncset.done $0x0;
	(pc) =	sbr.rel @p0 .LBB2_2-.Ltmp0, $4  }
0x3d: {  	[sflag:s10] =	ssyncadd.s32 $0xFFFF3800  }
0x3e: {  	[hbm4b:s18+s3] =	stream.linear.scatter [tilespmem:s14], [sflag:$0x3], $0xC800, $0x38;
	[tilespmem:$0x19400] =	vst v63  }
0x3f: {  	s21 =	smov.u32 s24;
	_ =	swait.ge [sflag:s10], $0xC800  }
0x40: {  	s19 =	sadd.s32 $0x1900, s19;
	s18 =	sadd.s32 $0x1900, s18;
	[sflag:s10] =	ssyncset.done $0x0  }
0x41: {  	s21 =	sadd.s32 s20, s9;
	[sflag:s10] =	ssyncadd.s32 $0xFFFF3800  }
0x42: {  	[tilespmem:s3], [sflag:$0x3] =	stream.linear.gather [hbm4b:s21+s3], $0x190, $0x38;
	[tilespmem:$0x19400] =	vst v63  }
0x43: {  	_ =	swait.ge [sflag:s10], $0x190  }
0x44: {  	[sflag:s10] =	ssyncset.done $0x0  }
0x45: {  	s31 =	sadd.s32 s20, s8;
	[sflag:s10] =	ssyncadd.s32 $0xFFFFFE70  }
0x46: {  	[tilespmem:s11], [sflag:$0x3] =	stream.linear.gather [hbm4b:s31+s3], $0x190, $0x38;
	[tilespmem:$0x19400] =	vst v63  }
0x47: {  	_ =	swait.ge [sflag:s10], $0x190  }
0x48: {  	[sflag:s10] =	ssyncset.done $0x0  }
0x49: {  	[sflag:s10] =	ssyncadd.s32 $0xFFFFFE70  }
0x4a: {  	[tilespmem:s13], [sflag:$0x1] =	stream.indirect.gather [hbm4b:s4+s12], $0x80, s3, s12, $0xb8;
	[tilespmem:$0x19400] =	vst v63  }
0x4b: {  	_ = 	snop  }
0x4c: {  	[tilespmem:s14], [sflag:$0x2] =	stream.indirect.gather [hbm4b:s2+s12], $0x80, s11, s12, $0xb8;
	[tilespmem:$0x19400] =	vst v63  }
0x4d: {  	_ =	swait.ge [sflag:s15], $0xC800  }
0x4e: {  	[sflag:s15] =	ssyncset.done $0x0  }
0x4f: {  	[sflag:s15] =	ssyncadd.s32 $0xFFFF3800  }
0x50: {  	_ =	swait.ge [sflag:s16], $0xC800  }
0x51: {  	[sflag:s16] =	ssyncset.done $0x0  }
0x52: {  	[sflag:s16] =	ssyncadd.s32 $0xFFFF3800  }
0x53: {  	[hbm4b:s19+s3] =	stream.linear.scatter [tilespmem:s13], [sflag:$0x3], $0xC800, $0x38;
	[tilespmem:$0x19400] =	vst v63  }
0x54: {  	s17 =	sadd.s32 $0x1, s17;
	_ =	swait.ge [sflag:s10], $0xC800  }
0x55: {  	p0 =	sne.s32 s17, s5;
	[sflag:s10] =	ssyncset.done $0x0  }
.Ltmp1:
0x56: {  	[sflag:s10] =	ssyncadd.s32 $0xFFFF3800;
	(pc) =	sbr.rel @p0 .LBB2_1-.Ltmp1, $4  }
0x57: {  	[hbm4b:s18+s3] =	stream.linear.scatter [tilespmem:s14], [sflag:$0x3], $0xC800, $0x38;
	[tilespmem:$0x19400] =	vst v63  }
0x58: {  	_ =	swait.ge [sflag:s10], $0xC800  }
0x59: {  	[sflag:s10] =	ssyncset.done $0x0  }
0x5a: {  	[sflag:s10] =	ssyncadd.s32 $0xFFFF3800  }
0x5b: {  	_ =	sfence.sel $0x180000  }
0x5c: {  	[bflag:$0x0] =	sbarrier.arrive $0xFFFF  }
0x5d: {  	p0 =	sne.s32 s1, $0x0;
	_ =	strace $0x90000047  }
0x5e: {  	s0 =	sadd.s32 @!p0 $0x100000, s0;
	[bflag:$0x2] =	sbarrier.arrive $0xFFFF  }
0x5f: {  	[sflag:s0] =	ssyncadd.tile.s32 @!p0 $0x1;
	_ =	shalt  }
.Lfunc_end2:
_tile_overlayer_lowered:
.L_overlay_start_2:
0x60: {  	(tag) =	ssettag $0x2  }
0x61: {  	s0 =	rddreg [dreg:$0x0];
	s2 =	stileid.u32  }
0x62: {  	s1 =	rddreg [dreg:$0x1];
	p0 =	sne.s32 s2, $0x0  }
0x63: {  	s3 =	rddreg [dreg:$0x2];
	[bflag:$0x3] =	sbarrier.arrive $0xFFFF;
	s2 =	simm.s32 @!p0 $0x1C03  }
0x64: {  	[timem:s3], [sflag:s2] =	dma.local @!p0 [hbm:s0], s1  }
0x65: {  	s0 =	simm.s32 @!p0 $0x3  }
0x66: {  	_ =	swait.ge @!p0 [sflag:s0], s1  }
0x67: {  	s1 =	ssub.s32 @!p0 $0x0, s1;
	[sflag:s0] =	ssyncset.done @!p0 $0x0  }
0x68: {  	[sflag:s0] =	ssyncadd.s32 @!p0 s1  }
0x69: {  	[bflag:$0x3] =	sbarrier.arrive $0xFFFF  }
0x6a: {  	_ =	shalt  }

</sc_bundles>
